<compile_context>
chip_gen: v7x
topology: tpu7x:2x2x1
jax: 0.10.2.dev20260603
libtpu: 0.0.44.dev20260713+nightly
codegen_flags: <defaults>
</compile_context>

<pallas_src>
import functools

import jax
import jax.numpy as jnp
from jax import lax
from jax.experimental import pallas as pl
from jax.experimental.pallas import tpu as pltpu
from jax.experimental.pallas import tpu_sc as plsc

_VOCAB = 1000000
_EMB = 64
_PAD = 128
_NEG = 10
_BATCH = 16384

_NC = 2
_NS = 16
_NW = _NC * _NS
_CH = 128

_VB = 16384


def _noise_flat_negmajor():
    nz = jax.random.randint(jax.random.key(42), (_BATCH, _NEG), 0, _VOCAB)
    return nz.astype(jnp.int32).T.reshape(-1)


_TG = (_VOCAB + _VB - 1) // _VB
_TROWS = _TG * (_VB // 2)


def _tc_transpose(wt):

    def body(x_ref, y_ref):
        eye = jnp.eye(_EMB, dtype=jnp.bfloat16)
        xt = lax.dot_general(x_ref[...].astype(jnp.bfloat16), eye,
                             (((0,), (0,)), ((), ())),
                             preferred_element_type=jnp.float32)
        y_ref[...] = jnp.concatenate(
            [xt[: _VB // 2], xt[_VB // 2:]], axis=1)

    return pl.pallas_call(
        body,
        grid=(_TG,),
        in_specs=[pl.BlockSpec((_EMB, _VB), lambda i: (0, i))],
        out_specs=pl.BlockSpec((_VB // 2, _PAD), lambda i: (i, 0)),
        out_shape=jax.ShapeDtypeStruct((_TROWS, _PAD), jnp.float32),
    )(wt)


def _sc_gather(table, idx_list):
    mesh = plsc.VectorSubcoreMesh(core_axis_name="c", subcore_axis_name="s")
    out_types = tuple(
        jax.ShapeDtypeStruct((idx.shape[0], _PAD), jnp.float32)
        for idx in idx_list)
    per_w = [idx.shape[0] // _NW for idx in idx_list]

    @functools.partial(
        pl.kernel,
        mesh=mesh,
        out_type=out_types,
        compiler_params=pltpu.CompilerParams(use_tc_tiling_on_sc=False),
        scratch_types=[
            pltpu.VMEM((_CH,), jnp.int32),
            pltpu.VMEM((_CH,), jnp.int32),
            pltpu.VMEM((_CH, _PAD), jnp.float32),
            pltpu.VMEM((_CH, _PAD), jnp.float32),
            pltpu.SemaphoreType.DMA,
            pltpu.SemaphoreType.DMA,
        ],
    )
    def k(*refs):
        n = len(idx_list)
        idx_hbms = refs[:n]
        table_hbm = refs[n]
        out_hbms = refs[n + 1:2 * n + 1]
        idxc0, idxc1, rows0, rows1, sem0, sem1 = refs[2 * n + 1:]
        wid = lax.axis_index("s") * _NC + lax.axis_index("c")
        bufs, sems = (rows0, rows1), (sem0, sem1)
        idxcs = (idxc0, idxc1)

        def gather_phase(ihbm, out, base, nch):
            @pl.loop(0, nch // 2)
            def _(t):
                offs = [base + (2 * t) * _CH, base + (2 * t + 1) * _CH]
                cps = []
                for b in (0, 1):
                    pltpu.sync_copy(ihbm.at[pl.ds(offs[b], _CH)], idxcs[b])
                    cps.append(pltpu.async_copy(
                        table_hbm.at[idxcs[b]], bufs[b], sems[b]))
                for b in (0, 1):
                    cps[b].wait()
                    pltpu.sync_copy(bufs[b], out.at[pl.ds(offs[b], _CH)])

        for ihbm, out, pw in zip(idx_hbms, out_hbms, per_w):
            gather_phase(ihbm, out, wid * pw, pw // _CH)

    return k(*idx_list, table)


def _tc_loss(emb_in, emb_ctx, emb_neg3, p_in, p_ctx, p_neg2):
    B = _BATCH
    Bb = 1024
    G = B // Bb

    def body(in_ref, ctx_ref, neg_ref, pi_ref, pc_ref, pn_ref, acc_ref):
        def sel(x, p):
            return x[:, : _EMB] * (1.0 - p) + x[:, _EMB:] * p

        pi = jnp.reshape(pi_ref[...], (Bb, 1))
        pc = jnp.reshape(pc_ref[...], (Bb, 1))
        a64 = sel(in_ref[...], pi)
        c64 = sel(ctx_ref[...], pc)
        a = jnp.concatenate([a64, a64], axis=1)
        pos = jnp.sum(a64 * c64, axis=1, keepdims=True)

        n3 = neg_ref[...]
        pn = pn_ref[...]
        lane = lax.broadcasted_iota(jnp.int32, (_NEG, Bb, _PAD), 2)
        mask = jnp.where(lane < _EMB, (1.0 - pn)[:, :, None],
                         pn[:, :, None])
        negs = jnp.sum(n3 * mask * a[None, :, :], axis=2)

        def logsig(x):
            return jnp.minimum(x, 0.0) - jnp.log1p(jnp.exp(-jnp.abs(x)))

        total = jnp.sum(logsig(pos)) + jnp.sum(logsig(-negs))

        @pl.when(pl.program_id(0) == 0)
        def _():
            acc_ref[...] = jnp.zeros((1, 1), jnp.float32)

        acc_ref[...] += jnp.reshape(total, (1, 1))

    acc = pl.pallas_call(
        body,
        grid=(G,),
        in_specs=[
            pl.BlockSpec((Bb, _PAD), lambda i: (i, 0)),
            pl.BlockSpec((Bb, _PAD), lambda i: (i, 0)),
            pl.BlockSpec((_NEG, Bb, _PAD), lambda i: (0, i, 0)),
            pl.BlockSpec((1, 1, Bb), lambda i: (i, 0, 0)),
            pl.BlockSpec((1, 1, Bb), lambda i: (i, 0, 0)),
            pl.BlockSpec((_NEG, Bb), lambda i: (0, i)),
        ],
        out_specs=pl.BlockSpec((1, 1), lambda i: (0, 0)),
        out_shape=jax.ShapeDtypeStruct((1, 1), jnp.float32),
    )(emb_in, emb_ctx, emb_neg3, p_in, p_ctx, p_neg2)
    return -acc[0, 0] / B


def kernel(input_word, context_word, W_in, W_ctx):
    B = _BATCH
    G = B // 1024
    iw = input_word.astype(jnp.int32)
    cw = context_word.astype(jnp.int32)
    nz = _noise_flat_negmajor()

    hvb = _VB // 2

    def row(v):
        return (v // _VB) * hvb + (v % hvb)

    def half(v):
        return ((v % _VB) // hvb).astype(jnp.float32)

    T_ctx = _tc_transpose(W_ctx.T)
    g_ctx, g_neg = _sc_gather(T_ctx, [row(cw), row(nz)])
    T_in = _tc_transpose(W_in.T)
    (g_in,) = _sc_gather(T_in, [row(iw)])
    p_in = half(iw).reshape(G, 1, 1024)
    p_ctx = half(cw).reshape(G, 1, 1024)
    p_neg2 = half(nz).reshape(_NEG, B)
    g_neg3 = g_neg.reshape(_NEG, B, _PAD)
    return _tc_loss(g_in, g_ctx, g_neg3, p_in, p_ctx, p_neg2)

# --- scband reference (transcript-rebuilt; emitter-appended) ---
"""Pipeline reference for scband-word2-vec-neg-sampling-7687991460330 (READ-ONLY COPY).

The authoritative reference and input builder live on the scoring server;
editing this copy changes nothing except your own understanding.
"""

import jax, jax.numpy as jnp
import numpy as np

VOCAB = 1000000
EMB = 64
NEG = 10
BATCH = 16384


def setup_inputs(seed: int = 0) -> dict:
    key = jax.random.key(seed)
    k1, k2, k3, k4 = jax.random.split(key, 4)
    input_word = jax.random.randint(k1, (BATCH,), 0, VOCAB, dtype=jnp.int64 if jax.config.jax_enable_x64 else jnp.int32)
    context_word = jax.random.randint(k2, (BATCH,), 0, VOCAB, dtype=jnp.int64 if jax.config.jax_enable_x64 else jnp.int32)
    # learned parameters: two embedding tables, uniform(-1, 1) per module init
    W_in = jax.random.uniform(k3, (VOCAB, EMB), minval=-1.0, maxval=1.0, dtype=jnp.float32)
    W_ctx = jax.random.uniform(k4, (VOCAB, EMB), minval=-1.0, maxval=1.0, dtype=jnp.float32)
    return {"input_word": input_word, "context_word": context_word, "W_in": W_in, "W_ctx": W_ctx}


def reference(input_word, context_word, W_in, W_ctx):
    # Canonical word2vec skip-gram negative-sampling forward.
    # Negative (noise) words are drawn with a fixed key (uniform noise_dist=None case)
    # so the computation is deterministic.
    B = input_word.shape[0]
    noise_words = jax.random.randint(jax.random.key(42), (B, NEG), 0, VOCAB)
    emb_in = jnp.take(W_in, input_word, axis=0)              # [B, D] gather
    emb_ctx = jnp.take(W_ctx, context_word, axis=0)          # [B, D] gather
    emb_neg = jnp.take(W_ctx, noise_words.reshape(-1), axis=0).reshape(B, NEG, EMB)  # [B, NEG, D] gather
    pos_score = jnp.sum(emb_in * emb_ctx, axis=1)            # [B]
    pos_loss = jax.nn.log_sigmoid(pos_score)                 # [B]
    neg_score = jnp.einsum('bnd,bd->bn', emb_neg, emb_in)    # [B, NEG]
    neg_loss = jnp.sum(jax.nn.log_sigmoid(-neg_score), axis=1)  # [B]
    loss = -jnp.mean(pos_loss + neg_loss)
    return loss

if __name__ == "__main__":
    import jax
    _d = setup_inputs()
    print(jax.jit(kernel)(*tuple(_d.values())))

</pallas_src>

<mosaic_0001>
#map = affine_map<(d0, d1) -> (0)>
#map1 = affine_map<(d0, d1) -> (0, 0)>
module attributes {stable_mosaic.version = 14 : i64} {
  func.func @k(%arg0: i32, %arg1: i32, %arg2: memref<16384xi32, #tpu.memory_space<hbm>>, %arg3: memref<507904x128xf32, #tpu.memory_space<hbm>>, %arg4: memref<16384x128xf32, #tpu.memory_space<hbm>>, %arg5: memref<128xi32, #tpu.memory_space<vmem>>, %arg6: memref<128xi32, #tpu.memory_space<vmem>>, %arg7: memref<128x128xf32, #tpu.memory_space<vmem>>, %arg8: memref<128x128xf32, #tpu.memory_space<vmem>>, %arg9: memref<!tpu.dma_semaphore, #tpu.memory_space<semaphore_mem>>, %arg10: memref<!tpu.dma_semaphore, #tpu.memory_space<semaphore_mem>>) attributes {dimension_semantics = [#tpu.dimension_semantics<core_parallel>, #tpu.dimension_semantics<subcore_parallel>], iteration_bounds = array<i64: 2, 16>, scalar_prefetch = 0 : i64, scratch_operands = 6 : i64, tpu.core_type = #tpu.core_type<sc_vector_subcore>, window_params = [{transform_indices = #map}, {transform_indices = #map1}, {transform_indices = #map1}]} {
    %mul3A = arith.constant 2 : i32
    %mul3A_0 = arith.muli %arg1, %mul3A : i32
    %add3A = arith.addi %mul3A_0, %arg0 : i32
    %mul3A_1 = arith.constant 512 : i32
    %mul3A_2 = arith.muli %add3A, %mul3A_1 : i32
    %scan3A = arith.constant 0 : i32
    %scan3A_3 = arith.constant 2 : i32
    %scan3A_4 = arith.addi %scan3A, %scan3A_3 : i32
    %scan3A_5 = arith.constant 1 : i32
    scf.for %scan3A_7 = %scan3A to %scan3A_4 step %scan3A_5  : i32 {
      %mul3A_8 = arith.constant 1 : i32
      %mul3A_9 = arith.muli %scan3A_7, %mul3A_8 : i32
      %add3A_10 = arith.constant 0 : i32
      %add3A_11 = arith.addi %add3A_10, %mul3A_9 : i32
      %mul3A_12 = arith.constant 2 : i32
      %mul3A_13 = arith.muli %mul3A_12, %add3A_11 : i32
      %mul3A_14 = arith.constant 128 : i32
      %mul3A_15 = arith.muli %mul3A_13, %mul3A_14 : i32
      %add3A_16 = arith.addi %mul3A_2, %mul3A_15 : i32
      %mul3A_17 = arith.constant 2 : i32
      %mul3A_18 = arith.muli %mul3A_17, %add3A_11 : i32
      %add3A_19 = arith.constant 1 : i32
      %add3A_20 = arith.addi %mul3A_18, %add3A_19 : i32
      %mul3A_21 = arith.constant 128 : i32
      %mul3A_22 = arith.muli %add3A_20, %mul3A_21 : i32
      %add3A_23 = arith.addi %mul3A_2, %mul3A_22 : i32
      "tpu.region"() ({
        %run_scoped3A = tpu.sem_alloc : memref<!tpu.dma_semaphore, #tpu.memory_space<semaphore_mem>>
        %dma_start3A_34 = tpu.memref_slice %arg2[%add3A_16] : memref<16384xi32, #tpu.memory_space<hbm>> -> memref<128xi32, #tpu.memory_space<hbm>>
        %dma_start3A_35 = tpu.memref_slice %arg2[%add3A_16] : memref<16384xi32, #tpu.memory_space<hbm>> -> memref<128xi32, #tpu.memory_space<hbm>>
        tpu.enqueue_dma source(%dma_start3A_35 : memref<128xi32, #tpu.memory_space<hbm>>) target(%arg5 : memref<128xi32, #tpu.memory_space<vmem>>) target_semaphore(%run_scoped3A : memref<!tpu.dma_semaphore, #tpu.memory_space<semaphore_mem>>)
        %dma_wait3A_36 = tpu.memref_slice %arg2[%add3A_16] : memref<16384xi32, #tpu.memory_space<hbm>> -> memref<128xi32, #tpu.memory_space<hbm>>
        %dma_wait3A_37 = tpu.memref_slice %arg2[%add3A_16] : memref<16384xi32, #tpu.memory_space<hbm>> -> memref<128xi32, #tpu.memory_space<hbm>>
        tpu.wait_dma2 semaphore(%run_scoped3A : memref<!tpu.dma_semaphore, #tpu.memory_space<semaphore_mem>>) src(%dma_wait3A_37 : memref<128xi32, #tpu.memory_space<hbm>>) dst(%arg5 : memref<128xi32, #tpu.memory_space<vmem>>)
        tpu.yield
      }) : () -> ()
      %dma_start3A = arith.constant 0 : i32
      %dma_start3A_24 = arith.constant 0 : i32
      %dma_start3A_25 = tpu.memref_slice %arg3[%dma_start3A, %dma_start3A_24] : memref<507904x128xf32, #tpu.memory_space<hbm>> -> memref<507904x128xf32, #tpu.memory_space<hbm>>
      tpu.enqueue_indirect_dma source(%dma_start3A_25 : memref<507904x128xf32, #tpu.memory_space<hbm>>) target(%arg7 : memref<128x128xf32, #tpu.memory_space<vmem>>) offsets(%arg5 : memref<128xi32, #tpu.memory_space<vmem>>) semaphore(%arg9 : memref<!tpu.dma_semaphore, #tpu.memory_space<semaphore_mem>>)
      "tpu.region"() ({
        %run_scoped3A = tpu.sem_alloc : memref<!tpu.dma_semaphore, #tpu.memory_space<semaphore_mem>>
        %dma_start3A_34 = tpu.memref_slice %arg2[%add3A_23] : memref<16384xi32, #tpu.memory_space<hbm>> -> memref<128xi32, #tpu.memory_space<hbm>>
        %dma_start3A_35 = tpu.memref_slice %arg2[%add3A_23] : memref<16384xi32, #tpu.memory_space<hbm>> -> memref<128xi32, #tpu.memory_space<hbm>>
        tpu.enqueue_dma source(%dma_start3A_35 : memref<128xi32, #tpu.memory_space<hbm>>) target(%arg6 : memref<128xi32, #tpu.memory_space<vmem>>) target_semaphore(%run_scoped3A : memref<!tpu.dma_semaphore, #tpu.memory_space<semaphore_mem>>)
        %dma_wait3A_36 = tpu.memref_slice %arg2[%add3A_23] : memref<16384xi32, #tpu.memory_space<hbm>> -> memref<128xi32, #tpu.memory_space<hbm>>
        %dma_wait3A_37 = tpu.memref_slice %arg2[%add3A_23] : memref<16384xi32, #tpu.memory_space<hbm>> -> memref<128xi32, #tpu.memory_space<hbm>>
        tpu.wait_dma2 semaphore(%run_scoped3A : memref<!tpu.dma_semaphore, #tpu.memory_space<semaphore_mem>>) src(%dma_wait3A_37 : memref<128xi32, #tpu.memory_space<hbm>>) dst(%arg6 : memref<128xi32, #tpu.memory_space<vmem>>)
        tpu.yield
      }) : () -> ()
      %dma_start3A_26 = arith.constant 0 : i32
      %dma_start3A_27 = arith.constant 0 : i32
      %dma_start3A_28 = tpu.memref_slice %arg3[%dma_start3A_26, %dma_start3A_27] : memref<507904x128xf32, #tpu.memory_space<hbm>> -> memref<507904x128xf32, #tpu.memory_space<hbm>>
      tpu.enqueue_indirect_dma source(%dma_start3A_28 : memref<507904x128xf32, #tpu.memory_space<hbm>>) target(%arg8 : memref<128x128xf32, #tpu.memory_space<vmem>>) offsets(%arg6 : memref<128xi32, #tpu.memory_space<vmem>>) semaphore(%arg10 : memref<!tpu.dma_semaphore, #tpu.memory_space<semaphore_mem>>)
      %dma_wait3A = arith.constant 0 : i32
      %dma_wait3A_29 = arith.constant 0 : i32
      %dma_wait3A_30 = tpu.memref_slice %arg3[%dma_wait3A, %dma_wait3A_29] : memref<507904x128xf32, #tpu.memory_space<hbm>> -> memref<507904x128xf32, #tpu.memory_space<hbm>>
      tpu.wait_indirect_dma semaphore(%arg9 : memref<!tpu.dma_semaphore, #tpu.memory_space<semaphore_mem>>) src(%dma_wait3A_30 : memref<507904x128xf32, #tpu.memory_space<hbm>>) dst(%arg7 : memref<128x128xf32, #tpu.memory_space<vmem>>)
      "tpu.region"() ({
        %run_scoped3A = tpu.sem_alloc : memref<!tpu.dma_semaphore, #tpu.memory_space<semaphore_mem>>
        %dma_start3A_34 = arith.constant 0 : i32
        %dma_start3A_35 = tpu.memref_slice %arg4[%add3A_16, %dma_start3A_34] : memref<16384x128xf32, #tpu.memory_space<hbm>> -> memref<128x128xf32, #tpu.memory_space<hbm>>
        %dma_start3A_36 = arith.constant 0 : i32
        %dma_start3A_37 = tpu.memref_slice %arg4[%add3A_16, %dma_start3A_36] : memref<16384x128xf32, #tpu.memory_space<hbm>> -> memref<128x128xf32, #tpu.memory_space<hbm>>
        tpu.enqueue_dma source(%arg7 : memref<128x128xf32, #tpu.memory_space<vmem>>) target(%dma_start3A_37 : memref<128x128xf32, #tpu.memory_space<hbm>>) target_semaphore(%run_scoped3A : memref<!tpu.dma_semaphore, #tpu.memory_space<semaphore_mem>>)
        %dma_wait3A_38 = arith.constant 0 : i32
        %dma_wait3A_39 = tpu.memref_slice %arg4[%add3A_16, %dma_wait3A_38] : memref<16384x128xf32, #tpu.memory_space<hbm>> -> memref<128x128xf32, #tpu.memory_space<hbm>>
        %dma_wait3A_40 = arith.constant 0 : i32
        %dma_wait3A_41 = tpu.memref_slice %arg4[%add3A_16, %dma_wait3A_40] : memref<16384x128xf32, #tpu.memory_space<hbm>> -> memref<128x128xf32, #tpu.memory_space<hbm>>
        tpu.wait_dma2 semaphore(%run_scoped3A : memref<!tpu.dma_semaphore, #tpu.memory_space<semaphore_mem>>) src(%arg7 : memref<128x128xf32, #tpu.memory_space<vmem>>) dst(%dma_wait3A_41 : memref<128x128xf32, #tpu.memory_space<hbm>>)
        tpu.yield
      }) : () -> ()
      %dma_wait3A_31 = arith.constant 0 : i32
      %dma_wait3A_32 = arith.constant 0 : i32
      %dma_wait3A_33 = tpu.memref_slice %arg3[%dma_wait3A_31, %dma_wait3A_32] : memref<507904x128xf32, #tpu.memory_space<hbm>> -> memref<507904x128xf32, #tpu.memory_space<hbm>>
      tpu.wait_indirect_dma semaphore(%arg10 : memref<!tpu.dma_semaphore, #tpu.memory_space<semaphore_mem>>) src(%dma_wait3A_33 : memref<507904x128xf32, #tpu.memory_space<hbm>>) dst(%arg8 : memref<128x128xf32, #tpu.memory_space<vmem>>)
      "tpu.region"() ({
        %run_scoped3A = tpu.sem_alloc : memref<!tpu.dma_semaphore, #tpu.memory_space<semaphore_mem>>
        %dma_start3A_34 = arith.constant 0 : i32
        %dma_start3A_35 = tpu.memref_slice %arg4[%add3A_23, %dma_start3A_34] : memref<16384x128xf32, #tpu.memory_space<hbm>> -> memref<128x128xf32, #tpu.memory_space<hbm>>
        %dma_start3A_36 = arith.constant 0 : i32
        %dma_start3A_37 = tpu.memref_slice %arg4[%add3A_23, %dma_start3A_36] : memref<16384x128xf32, #tpu.memory_space<hbm>> -> memref<128x128xf32, #tpu.memory_space<hbm>>
        tpu.enqueue_dma source(%arg8 : memref<128x128xf32, #tpu.memory_space<vmem>>) target(%dma_start3A_37 : memref<128x128xf32, #tpu.memory_space<hbm>>) target_semaphore(%run_scoped3A : memref<!tpu.dma_semaphore, #tpu.memory_space<semaphore_mem>>)
        %dma_wait3A_38 = arith.constant 0 : i32
        %dma_wait3A_39 = tpu.memref_slice %arg4[%add3A_23, %dma_wait3A_38] : memref<16384x128xf32, #tpu.memory_space<hbm>> -> memref<128x128xf32, #tpu.memory_space<hbm>>
        %dma_wait3A_40 = arith.constant 0 : i32
        %dma_wait3A_41 = tpu.memref_slice %arg4[%add3A_23, %dma_wait3A_40] : memref<16384x128xf32, #tpu.memory_space<hbm>> -> memref<128x128xf32, #tpu.memory_space<hbm>>
        tpu.wait_dma2 semaphore(%run_scoped3A : memref<!tpu.dma_semaphore, #tpu.memory_space<semaphore_mem>>) src(%arg8 : memref<128x128xf32, #tpu.memory_space<vmem>>) dst(%dma_wait3A_41 : memref<128x128xf32, #tpu.memory_space<hbm>>)
        tpu.yield
      }) : () -> ()
    }
    %scan3A_6 = arith.constant 2 : i32
    return
  }
}

#map = affine_map<(d0, d1) -> (0)>
#map1 = affine_map<(d0, d1) -> (0, 0)>
module attributes {stable_mosaic.version = 14 : i64} {
  func.func @k(%arg0: i32, %arg1: i32, %arg2: memref<16384xi32, #tpu.memory_space<hbm>>, %arg3: memref<163840xi32, #tpu.memory_space<hbm>>, %arg4: memref<507904x128xf32, #tpu.memory_space<hbm>>, %arg5: memref<16384x128xf32, #tpu.memory_space<hbm>>, %arg6: memref<163840x128xf32, #tpu.memory_space<hbm>>, %arg7: memref<128xi32, #tpu.memory_space<vmem>>, %arg8: memref<128xi32, #tpu.memory_space<vmem>>, %arg9: memref<128x128xf32, #tpu.memory_space<vmem>>, %arg10: memref<128x128xf32, #tpu.memory_space<vmem>>, %arg11: memref<!tpu.dma_semaphore, #tpu.memory_space<semaphore_mem>>, %arg12: memref<!tpu.dma_semaphore, #tpu.memory_space<semaphore_mem>>) attributes {dimension_semantics = [#tpu.dimension_semantics<core_parallel>, #tpu.dimension_semantics<subcore_parallel>], iteration_bounds = array<i64: 2, 16>, scalar_prefetch = 0 : i64, scratch_operands = 6 : i64, tpu.core_type = #tpu.core_type<sc_vector_subcore>, window_params = [{transform_indices = #map}, {transform_indices = #map}, {transform_indices = #map1}, {transform_indices = #map1}, {transform_indices = #map1}]} {
    %mul3A = arith.constant 2 : i32
    %mul3A_0 = arith.muli %arg1, %mul3A : i32
    %add3A = arith.addi %mul3A_0, %arg0 : i32
    %mul3A_1 = arith.constant 512 : i32
    %mul3A_2 = arith.muli %add3A, %mul3A_1 : i32
    %scan3A = arith.constant 0 : i32
    %scan3A_3 = arith.constant 2 : i32
    %scan3A_4 = arith.addi %scan3A, %scan3A_3 : i32
    %scan3A_5 = arith.constant 1 : i32
    scf.for %scan3A_14 = %scan3A to %scan3A_4 step %scan3A_5  : i32 {
      %mul3A_15 = arith.constant 1 : i32
      %mul3A_16 = arith.muli %scan3A_14, %mul3A_15 : i32
      %add3A_17 = arith.constant 0 : i32
      %add3A_18 = arith.addi %add3A_17, %mul3A_16 : i32
      %mul3A_19 = arith.constant 2 : i32
      %mul3A_20 = arith.muli %mul3A_19, %add3A_18 : i32
      %mul3A_21 = arith.constant 128 : i32
      %mul3A_22 = arith.muli %mul3A_20, %mul3A_21 : i32
      %add3A_23 = arith.addi %mul3A_2, %mul3A_22 : i32
      %mul3A_24 = arith.constant 2 : i32
      %mul3A_25 = arith.muli %mul3A_24, %add3A_18 : i32
      %add3A_26 = arith.constant 1 : i32
      %add3A_27 = arith.addi %mul3A_25, %add3A_26 : i32
      %mul3A_28 = arith.constant 128 : i32
      %mul3A_29 = arith.muli %add3A_27, %mul3A_28 : i32
      %add3A_30 = arith.addi %mul3A_2, %mul3A_29 : i32
      "tpu.region"() ({
        %run_scoped3A = tpu.sem_alloc : memref<!tpu.dma_semaphore, #tpu.memory_space<semaphore_mem>>
        %dma_start3A_41 = tpu.memref_slice %arg2[%add3A_23] : memref<16384xi32, #tpu.memory_space<hbm>> -> memref<128xi32, #tpu.memory_space<hbm>>
        %dma_start3A_42 = tpu.memref_slice %arg2[%add3A_23] : memref<16384xi32, #tpu.memory_space<hbm>> -> memref<128xi32, #tpu.memory_space<hbm>>
        tpu.enqueue_dma source(%dma_start3A_42 : memref<128xi32, #tpu.memory_space<hbm>>) target(%arg7 : memref<128xi32, #tpu.memory_space<vmem>>) target_semaphore(%run_scoped3A : memref<!tpu.dma_semaphore, #tpu.memory_space<semaphore_mem>>)
        %dma_wait3A_43 = tpu.memref_slice %arg2[%add3A_23] : memref<16384xi32, #tpu.memory_space<hbm>> -> memref<128xi32, #tpu.memory_space<hbm>>
        %dma_wait3A_44 = tpu.memref_slice %arg2[%add3A_23] : memref<16384xi32, #tpu.memory_space<hbm>> -> memref<128xi32, #tpu.memory_space<hbm>>
        tpu.wait_dma2 semaphore(%run_scoped3A : memref<!tpu.dma_semaphore, #tpu.memory_space<semaphore_mem>>) src(%dma_wait3A_44 : memref<128xi32, #tpu.memory_space<hbm>>) dst(%arg7 : memref<128xi32, #tpu.memory_space<vmem>>)
        tpu.yield
      }) : () -> ()
      %dma_start3A = arith.constant 0 : i32
      %dma_start3A_31 = arith.constant 0 : i32
      %dma_start3A_32 = tpu.memref_slice %arg4[%dma_start3A, %dma_start3A_31] : memref<507904x128xf32, #tpu.memory_space<hbm>> -> memref<507904x128xf32, #tpu.memory_space<hbm>>
      tpu.enqueue_indirect_dma source(%dma_start3A_32 : memref<507904x128xf32, #tpu.memory_space<hbm>>) target(%arg9 : memref<128x128xf32, #tpu.memory_space<vmem>>) offsets(%arg7 : memref<128xi32, #tpu.memory_space<vmem>>) semaphore(%arg11 : memref<!tpu.dma_semaphore, #tpu.memory_space<semaphore_mem>>)
      "tpu.region"() ({
        %run_scoped3A = tpu.sem_alloc : memref<!tpu.dma_semaphore, #tpu.memory_space<semaphore_mem>>
        %dma_start3A_41 = tpu.memref_slice %arg2[%add3A_30] : memref<16384xi32, #tpu.memory_space<hbm>> -> memref<128xi32, #tpu.memory_space<hbm>>
        %dma_start3A_42 = tpu.memref_slice %arg2[%add3A_30] : memref<16384xi32, #tpu.memory_space<hbm>> -> memref<128xi32, #tpu.memory_space<hbm>>
        tpu.enqueue_dma source(%dma_start3A_42 : memref<128xi32, #tpu.memory_space<hbm>>) target(%arg8 : memref<128xi32, #tpu.memory_space<vmem>>) target_semaphore(%run_scoped3A : memref<!tpu.dma_semaphore, #tpu.memory_space<semaphore_mem>>)
        %dma_wait3A_43 = tpu.memref_slice %arg2[%add3A_30] : memref<16384xi32, #tpu.memory_space<hbm>> -> memref<128xi32, #tpu.memory_space<hbm>>
        %dma_wait3A_44 = tpu.memref_slice %arg2[%add3A_30] : memref<16384xi32, #tpu.memory_space<hbm>> -> memref<128xi32, #tpu.memory_space<hbm>>
        tpu.wait_dma2 semaphore(%run_scoped3A : memref<!tpu.dma_semaphore, #tpu.memory_space<semaphore_mem>>) src(%dma_wait3A_44 : memref<128xi32, #tpu.memory_space<hbm>>) dst(%arg8 : memref<128xi32, #tpu.memory_space<vmem>>)
        tpu.yield
      }) : () -> ()
      %dma_start3A_33 = arith.constant 0 : i32
      %dma_start3A_34 = arith.constant 0 : i32
      %dma_start3A_35 = tpu.memref_slice %arg4[%dma_start3A_33, %dma_start3A_34] : memref<507904x128xf32, #tpu.memory_space<hbm>> -> memref<507904x128xf32, #tpu.memory_space<hbm>>
      tpu.enqueue_indirect_dma source(%dma_start3A_35 : memref<507904x128xf32, #tpu.memory_space<hbm>>) target(%arg10 : memref<128x128xf32, #tpu.memory_space<vmem>>) offsets(%arg8 : memref<128xi32, #tpu.memory_space<vmem>>) semaphore(%arg12 : memref<!tpu.dma_semaphore, #tpu.memory_space<semaphore_mem>>)
      %dma_wait3A = arith.constant 0 : i32
      %dma_wait3A_36 = arith.constant 0 : i32
      %dma_wait3A_37 = tpu.memref_slice %arg4[%dma_wait3A, %dma_wait3A_36] : memref<507904x128xf32, #tpu.memory_space<hbm>> -> memref<507904x128xf32, #tpu.memory_space<hbm>>
      tpu.wait_indirect_dma semaphore(%arg11 : memref<!tpu.dma_semaphore, #tpu.memory_space<semaphore_mem>>) src(%dma_wait3A_37 : memref<507904x128xf32, #tpu.memory_space<hbm>>) dst(%arg9 : memref<128x128xf32, #tpu.memory_space<vmem>>)
      "tpu.region"() ({
        %run_scoped3A = tpu.sem_alloc : memref<!tpu.dma_semaphore, #tpu.memory_space<semaphore_mem>>
        %dma_start3A_41 = arith.constant 0 : i32
        %dma_start3A_42 = tpu.memref_slice %arg5[%add3A_23, %dma_start3A_41] : memref<16384x128xf32, #tpu.memory_space<hbm>> -> memref<128x128xf32, #tpu.memory_space<hbm>>
        %dma_start3A_43 = arith.constant 0 : i32
        %dma_start3A_44 = tpu.memref_slice %arg5[%add3A_23, %dma_start3A_43] : memref<16384x128xf32, #tpu.memory_space<hbm>> -> memref<128x128xf32, #tpu.memory_space<hbm>>
        tpu.enqueue_dma source(%arg9 : memref<128x128xf32, #tpu.memory_space<vmem>>) target(%dma_start3A_44 : memref<128x128xf32, #tpu.memory_space<hbm>>) target_semaphore(%run_scoped3A : memref<!tpu.dma_semaphore, #tpu.memory_space<semaphore_mem>>)
        %dma_wait3A_45 = arith.constant 0 : i32
        %dma_wait3A_46 = tpu.memref_slice %arg5[%add3A_23, %dma_wait3A_45] : memref<16384x128xf32, #tpu.memory_space<hbm>> -> memref<128x128xf32, #tpu.memory_space<hbm>>
        %dma_wait3A_47 = arith.constant 0 : i32
        %dma_wait3A_48 = tpu.memref_slice %arg5[%add3A_23, %dma_wait3A_47] : memref<16384x128xf32, #tpu.memory_space<hbm>> -> memref<128x128xf32, #tpu.memory_space<hbm>>
        tpu.wait_dma2 semaphore(%run_scoped3A : memref<!tpu.dma_semaphore, #tpu.memory_space<semaphore_mem>>) src(%arg9 : memref<128x128xf32, #tpu.memory_space<vmem>>) dst(%dma_wait3A_48 : memref<128x128xf32, #tpu.memory_space<hbm>>)
        tpu.yield
      }) : () -> ()
      %dma_wait3A_38 = arith.constant 0 : i32
      %dma_wait3A_39 = arith.constant 0 : i32
      %dma_wait3A_40 = tpu.memref_slice %arg4[%dma_wait3A_38, %dma_wait3A_39] : memref<507904x128xf32, #tpu.memory_space<hbm>> -> memref<507904x128xf32, #tpu.memory_space<hbm>>
      tpu.wait_indirect_dma semaphore(%arg12 : memref<!tpu.dma_semaphore, #tpu.memory_space<semaphore_mem>>) src(%dma_wait3A_40 : memref<507904x128xf32, #tpu.memory_space<hbm>>) dst(%arg10 : memref<128x128xf32, #tpu.memory_space<vmem>>)
      "tpu.region"() ({
        %run_scoped3A = tpu.sem_alloc : memref<!tpu.dma_semaphore, #tpu.memory_space<semaphore_mem>>
        %dma_start3A_41 = arith.constant 0 : i32
        %dma_start3A_42 = tpu.memref_slice %arg5[%add3A_30, %dma_start3A_41] : memref<16384x128xf32, #tpu.memory_space<hbm>> -> memref<128x128xf32, #tpu.memory_space<hbm>>
        %dma_start3A_43 = arith.constant 0 : i32
        %dma_start3A_44 = tpu.memref_slice %arg5[%add3A_30, %dma_start3A_43] : memref<16384x128xf32, #tpu.memory_space<hbm>> -> memref<128x128xf32, #tpu.memory_space<hbm>>
        tpu.enqueue_dma source(%arg10 : memref<128x128xf32, #tpu.memory_space<vmem>>) target(%dma_start3A_44 : memref<128x128xf32, #tpu.memory_space<hbm>>) target_semaphore(%run_scoped3A : memref<!tpu.dma_semaphore, #tpu.memory_space<semaphore_mem>>)
        %dma_wait3A_45 = arith.constant 0 : i32
        %dma_wait3A_46 = tpu.memref_slice %arg5[%add3A_30, %dma_wait3A_45] : memref<16384x128xf32, #tpu.memory_space<hbm>> -> memref<128x128xf32, #tpu.memory_space<hbm>>
        %dma_wait3A_47 = arith.constant 0 : i32
        %dma_wait3A_48 = tpu.memref_slice %arg5[%add3A_30, %dma_wait3A_47] : memref<16384x128xf32, #tpu.memory_space<hbm>> -> memref<128x128xf32, #tpu.memory_space<hbm>>
        tpu.wait_dma2 semaphore(%run_scoped3A : memref<!tpu.dma_semaphore, #tpu.memory_space<semaphore_mem>>) src(%arg10 : memref<128x128xf32, #tpu.memory_space<vmem>>) dst(%dma_wait3A_48 : memref<128x128xf32, #tpu.memory_space<hbm>>)
        tpu.yield
      }) : () -> ()
    }
    %scan3A_6 = arith.constant 2 : i32
    %mul3A_7 = arith.constant 5120 : i32
    %mul3A_8 = arith.muli %add3A, %mul3A_7 : i32
    %scan3A_9 = arith.constant 0 : i32
    %scan3A_10 = arith.constant 20 : i32
    %scan3A_11 = arith.addi %scan3A_9, %scan3A_10 : i32
    %scan3A_12 = arith.constant 1 : i32
    scf.for %scan3A_14 = %scan3A_9 to %scan3A_11 step %scan3A_12  : i32 {
      %mul3A_15 = arith.constant 1 : i32
      %mul3A_16 = arith.muli %scan3A_14, %mul3A_15 : i32
      %add3A_17 = arith.constant 0 : i32
      %add3A_18 = arith.addi %add3A_17, %mul3A_16 : i32
      %mul3A_19 = arith.constant 2 : i32
      %mul3A_20 = arith.muli %mul3A_19, %add3A_18 : i32
      %mul3A_21 = arith.constant 128 : i32
      %mul3A_22 = arith.muli %mul3A_20, %mul3A_21 : i32
      %add3A_23 = arith.addi %mul3A_8, %mul3A_22 : i32
      %mul3A_24 = arith.constant 2 : i32
      %mul3A_25 = arith.muli %mul3A_24, %add3A_18 : i32
      %add3A_26 = arith.constant 1 : i32
      %add3A_27 = arith.addi %mul3A_25, %add3A_26 : i32
      %mul3A_28 = arith.constant 128 : i32
      %mul3A_29 = arith.muli %add3A_27, %mul3A_28 : i32
      %add3A_30 = arith.addi %mul3A_8, %mul3A_29 : i32
      "tpu.region"() ({
        %run_scoped3A = tpu.sem_alloc : memref<!tpu.dma_semaphore, #tpu.memory_space<semaphore_mem>>
        %dma_start3A_41 = tpu.memref_slice %arg3[%add3A_23] : memref<163840xi32, #tpu.memory_space<hbm>> -> memref<128xi32, #tpu.memory_space<hbm>>
        %dma_start3A_42 = tpu.memref_slice %arg3[%add3A_23] : memref<163840xi32, #tpu.memory_space<hbm>> -> memref<128xi32, #tpu.memory_space<hbm>>
        tpu.enqueue_dma source(%dma_start3A_42 : memref<128xi32, #tpu.memory_space<hbm>>) target(%arg7 : memref<128xi32, #tpu.memory_space<vmem>>) target_semaphore(%run_scoped3A : memref<!tpu.dma_semaphore, #tpu.memory_space<semaphore_mem>>)
        %dma_wait3A_43 = tpu.memref_slice %arg3[%add3A_23] : memref<163840xi32, #tpu.memory_space<hbm>> -> memref<128xi32, #tpu.memory_space<hbm>>
        %dma_wait3A_44 = tpu.memref_slice %arg3[%add3A_23] : memref<163840xi32, #tpu.memory_space<hbm>> -> memref<128xi32, #tpu.memory_space<hbm>>
        tpu.wait_dma2 semaphore(%run_scoped3A : memref<!tpu.dma_semaphore, #tpu.memory_space<semaphore_mem>>) src(%dma_wait3A_44 : memref<128xi32, #tpu.memory_space<hbm>>) dst(%arg7 : memref<128xi32, #tpu.memory_space<vmem>>)
        tpu.yield
      }) : () -> ()
      %dma_start3A = arith.constant 0 : i32
      %dma_start3A_31 = arith.constant 0 : i32
      %dma_start3A_32 = tpu.memref_slice %arg4[%dma_start3A, %dma_start3A_31] : memref<507904x128xf32, #tpu.memory_space<hbm>> -> memref<507904x128xf32, #tpu.memory_space<hbm>>
      tpu.enqueue_indirect_dma source(%dma_start3A_32 : memref<507904x128xf32, #tpu.memory_space<hbm>>) target(%arg9 : memref<128x128xf32, #tpu.memory_space<vmem>>) offsets(%arg7 : memref<128xi32, #tpu.memory_space<vmem>>) semaphore(%arg11 : memref<!tpu.dma_semaphore, #tpu.memory_space<semaphore_mem>>)
      "tpu.region"() ({
        %run_scoped3A = tpu.sem_alloc : memref<!tpu.dma_semaphore, #tpu.memory_space<semaphore_mem>>
        %dma_start3A_41 = tpu.memref_slice %arg3[%add3A_30] : memref<163840xi32, #tpu.memory_space<hbm>> -> memref<128xi32, #tpu.memory_space<hbm>>
        %dma_start3A_42 = tpu.memref_slice %arg3[%add3A_30] : memref<163840xi32, #tpu.memory_space<hbm>> -> memref<128xi32, #tpu.memory_space<hbm>>
        tpu.enqueue_dma source(%dma_start3A_42 : memref<128xi32, #tpu.memory_space<hbm>>) target(%arg8 : memref<128xi32, #tpu.memory_space<vmem>>) target_semaphore(%run_scoped3A : memref<!tpu.dma_semaphore, #tpu.memory_space<semaphore_mem>>)
        %dma_wait3A_43 = tpu.memref_slice %arg3[%add3A_30] : memref<163840xi32, #tpu.memory_space<hbm>> -> memref<128xi32, #tpu.memory_space<hbm>>
        %dma_wait3A_44 = tpu.memref_slice %arg3[%add3A_30] : memref<163840xi32, #tpu.memory_space<hbm>> -> memref<128xi32, #tpu.memory_space<hbm>>
        tpu.wait_dma2 semaphore(%run_scoped3A : memref<!tpu.dma_semaphore, #tpu.memory_space<semaphore_mem>>) src(%dma_wait3A_44 : memref<128xi32, #tpu.memory_space<hbm>>) dst(%arg8 : memref<128xi32, #tpu.memory_space<vmem>>)
        tpu.yield
      }) : () -> ()
      %dma_start3A_33 = arith.constant 0 : i32
      %dma_start3A_34 = arith.constant 0 : i32
      %dma_start3A_35 = tpu.memref_slice %arg4[%dma_start3A_33, %dma_start3A_34] : memref<507904x128xf32, #tpu.memory_space<hbm>> -> memref<507904x128xf32, #tpu.memory_space<hbm>>
      tpu.enqueue_indirect_dma source(%dma_start3A_35 : memref<507904x128xf32, #tpu.memory_space<hbm>>) target(%arg10 : memref<128x128xf32, #tpu.memory_space<vmem>>) offsets(%arg8 : memref<128xi32, #tpu.memory_space<vmem>>) semaphore(%arg12 : memref<!tpu.dma_semaphore, #tpu.memory_space<semaphore_mem>>)
      %dma_wait3A = arith.constant 0 : i32
      %dma_wait3A_36 = arith.constant 0 : i32
      %dma_wait3A_37 = tpu.memref_slice %arg4[%dma_wait3A, %dma_wait3A_36] : memref<507904x128xf32, #tpu.memory_space<hbm>> -> memref<507904x128xf32, #tpu.memory_space<hbm>>
      tpu.wait_indirect_dma semaphore(%arg11 : memref<!tpu.dma_semaphore, #tpu.memory_space<semaphore_mem>>) src(%dma_wait3A_37 : memref<507904x128xf32, #tpu.memory_space<hbm>>) dst(%arg9 : memref<128x128xf32, #tpu.memory_space<vmem>>)
      "tpu.region"() ({
        %run_scoped3A = tpu.sem_alloc : memref<!tpu.dma_semaphore, #tpu.memory_space<semaphore_mem>>
        %dma_start3A_41 = arith.constant 0 : i32
        %dma_start3A_42 = tpu.memref_slice %arg6[%add3A_23, %dma_start3A_41] : memref<163840x128xf32, #tpu.memory_space<hbm>> -> memref<128x128xf32, #tpu.memory_space<hbm>>
        %dma_start3A_43 = arith.constant 0 : i32
        %dma_start3A_44 = tpu.memref_slice %arg6[%add3A_23, %dma_start3A_43] : memref<163840x128xf32, #tpu.memory_space<hbm>> -> memref<128x128xf32, #tpu.memory_space<hbm>>
        tpu.enqueue_dma source(%arg9 : memref<128x128xf32, #tpu.memory_space<vmem>>) target(%dma_start3A_44 : memref<128x128xf32, #tpu.memory_space<hbm>>) target_semaphore(%run_scoped3A : memref<!tpu.dma_semaphore, #tpu.memory_space<semaphore_mem>>)
        %dma_wait3A_45 = arith.constant 0 : i32
        %dma_wait3A_46 = tpu.memref_slice %arg6[%add3A_23, %dma_wait3A_45] : memref<163840x128xf32, #tpu.memory_space<hbm>> -> memref<128x128xf32, #tpu.memory_space<hbm>>
        %dma_wait3A_47 = arith.constant 0 : i32
        %dma_wait3A_48 = tpu.memref_slice %arg6[%add3A_23, %dma_wait3A_47] : memref<163840x128xf32, #tpu.memory_space<hbm>> -> memref<128x128xf32, #tpu.memory_space<hbm>>
        tpu.wait_dma2 semaphore(%run_scoped3A : memref<!tpu.dma_semaphore, #tpu.memory_space<semaphore_mem>>) src(%arg9 : memref<128x128xf32, #tpu.memory_space<vmem>>) dst(%dma_wait3A_48 : memref<128x128xf32, #tpu.memory_space<hbm>>)
        tpu.yield
      }) : () -> ()
      %dma_wait3A_38 = arith.constant 0 : i32
      %dma_wait3A_39 = arith.constant 0 : i32
      %dma_wait3A_40 = tpu.memref_slice %arg4[%dma_wait3A_38, %dma_wait3A_39] : memref<507904x128xf32, #tpu.memory_space<hbm>> -> memref<507904x128xf32, #tpu.memory_space<hbm>>
      tpu.wait_indirect_dma semaphore(%arg12 : memref<!tpu.dma_semaphore, #tpu.memory_space<semaphore_mem>>) src(%dma_wait3A_40 : memref<507904x128xf32, #tpu.memory_space<hbm>>) dst(%arg10 : memref<128x128xf32, #tpu.memory_space<vmem>>)
      "tpu.region"() ({
        %run_scoped3A = tpu.sem_alloc : memref<!tpu.dma_semaphore, #tpu.memory_space<semaphore_mem>>
        %dma_start3A_41 = arith.constant 0 : i32
        %dma_start3A_42 = tpu.memref_slice %arg6[%add3A_30, %dma_start3A_41] : memref<163840x128xf32, #tpu.memory_space<hbm>> -> memref<128x128xf32, #tpu.memory_space<hbm>>
        %dma_start3A_43 = arith.constant 0 : i32
        %dma_start3A_44 = tpu.memref_slice %arg6[%add3A_30, %dma_start3A_43] : memref<163840x128xf32, #tpu.memory_space<hbm>> -> memref<128x128xf32, #tpu.memory_space<hbm>>
        tpu.enqueue_dma source(%arg10 : memref<128x128xf32, #tpu.memory_space<vmem>>) target(%dma_start3A_44 : memref<128x128xf32, #tpu.memory_space<hbm>>) target_semaphore(%run_scoped3A : memref<!tpu.dma_semaphore, #tpu.memory_space<semaphore_mem>>)
        %dma_wait3A_45 = arith.constant 0 : i32
        %dma_wait3A_46 = tpu.memref_slice %arg6[%add3A_30, %dma_wait3A_45] : memref<163840x128xf32, #tpu.memory_space<hbm>> -> memref<128x128xf32, #tpu.memory_space<hbm>>
        %dma_wait3A_47 = arith.constant 0 : i32
        %dma_wait3A_48 = tpu.memref_slice %arg6[%add3A_30, %dma_wait3A_47] : memref<163840x128xf32, #tpu.memory_space<hbm>> -> memref<128x128xf32, #tpu.memory_space<hbm>>
        tpu.wait_dma2 semaphore(%run_scoped3A : memref<!tpu.dma_semaphore, #tpu.memory_space<semaphore_mem>>) src(%arg10 : memref<128x128xf32, #tpu.memory_space<vmem>>) dst(%dma_wait3A_48 : memref<128x128xf32, #tpu.memory_space<hbm>>)
        tpu.yield
      }) : () -> ()
    }
    %scan3A_13 = arith.constant 20 : i32
    return
  }
}

module attributes {stable_mosaic.version = 14 : i64} {
  func.func @body(%arg0: i32, %arg1: memref<64x16384xf32, #tpu.memory_space<vmem>>, %arg2: memref<8192x128xf32, #tpu.memory_space<vmem>>) attributes {dimension_semantics = [#tpu.dimension_semantics<arbitrary>], iteration_bounds = array<i64: 62>, scalar_prefetch = 0 : i64, scratch_operands = 0 : i64, tpu.core_type = #tpu.core_type<tc>, window_params = [{transform_indices = @transform_0, window_bounds = array<i64: 64, 16384>}, {transform_indices = @transform_1, window_bounds = array<i64: 8192, 128>}]} {
    %iota3A = tpu.iota {dimensions = array<i32: 0>} : vector<64x64xi32>
    %iota3A_0 = tpu.iota {dimensions = array<i32: 1>} : vector<64x64xi32>
    %add3A = arith.constant 0 : i32
    %add3A_1 = vector.broadcast %add3A : i32 to vector<64x64xi32>
    %add3A_2 = arith.addi %iota3A, %add3A_1 : vector<64x64xi32>
    %eq3A = arith.cmpi eq, %add3A_2, %iota3A_0 : vector<64x64xi32>
    %convert_element_type3A = arith.extui %eq3A : vector<64x64xi1> to vector<64x64xi32>
    %convert_element_type3A_3 = arith.sitofp %convert_element_type3A : vector<64x64xi32> to vector<64x64xf32>
    %convert_element_type3A_4 = arith.truncf %convert_element_type3A_3 : vector<64x64xf32> to vector<64x64xbf16>
    %get3A = arith.constant 0 : index
    %get3A_5 = arith.constant 0 : index
    %get3A_6 = vector.load %arg1[%get3A, %get3A_5] : memref<64x16384xf32, #tpu.memory_space<vmem>>, vector<64x16384xf32>
    %convert_element_type3A_7 = arith.truncf %get3A_6 : vector<64x16384xf32> to vector<64x16384xbf16>
    %dot_general3A = arith.constant dense<0.000000e+00> : vector<16384x64xf32>
    %dot_general3A_8 = tpu.matmul %convert_element_type3A_7, %convert_element_type3A_4, %dot_general3A {dimension_numbers = #tpu.dot_dimension_numbers<[0], [0], [1], [1], [0, 1, 1, 1], [], []>, transpose_lhs_hint = false} : vector<64x16384xbf16>, vector<64x64xbf16>, vector<16384x64xf32> -> vector<16384x64xf32>
    %slice3A = vector.extract_strided_slice %dot_general3A_8 {offsets = [0, 0], sizes = [8192, 64], strides = [1, 1]} : vector<16384x64xf32> to vector<8192x64xf32>
    %slice3A_9 = vector.extract_strided_slice %dot_general3A_8 {offsets = [8192, 0], sizes = [8192, 64], strides = [1, 1]} : vector<16384x64xf32> to vector<8192x64xf32>
    %concatenate3A = tpu.concatenate %slice3A, %slice3A_9 in 1 : vector<8192x64xf32>, vector<8192x64xf32> -> vector<8192x128xf32>
    %swap3A = arith.constant 0 : index
    %swap3A_10 = arith.constant 0 : index
    %swap3A_11 = vector.load %arg2[%swap3A, %swap3A_10] : memref<8192x128xf32, #tpu.memory_space<vmem>>, vector<8192x128xf32>
    tpu.vector_store %arg2[%swap3A, %swap3A_10], %concatenate3A {strides = array<i32>} : memref<8192x128xf32, #tpu.memory_space<vmem>>, vector<8192x128xf32>,
    return
  }
  func.func @transform_0(%arg0: i32) -> (i32, i32) {
    %c0_i32 = arith.constant 0 : i32
    %c0_i32_0 = arith.constant 0 : i32
    return %c0_i32, %arg0 : i32, i32
  }
  func.func @transform_1(%arg0: i32) -> (i32, i32) {
    %c0_i32 = arith.constant 0 : i32
    %c0_i32_0 = arith.constant 0 : i32
    return %arg0, %c0_i32 : i32, i32
  }
}

module attributes {stable_mosaic.version = 14 : i64} {
  func.func @body(%arg0: i32, %arg1: memref<1024x128xf32, #tpu.memory_space<vmem>>, %arg2: memref<1024x128xf32, #tpu.memory_space<vmem>>, %arg3: memref<10x1024x128xf32, #tpu.memory_space<vmem>>, %arg4: memref<1x1x1024xf32, #tpu.memory_space<vmem>>, %arg5: memref<1x1x1024xf32, #tpu.memory_space<vmem>>, %arg6: memref<10x1024xf32, #tpu.memory_space<vmem>>, %arg7: memref<1x1xf32, #tpu.memory_space<vmem>>) attributes {dimension_semantics = [#tpu.dimension_semantics<arbitrary>], iteration_bounds = array<i64: 16>, scalar_prefetch = 0 : i64, scratch_operands = 0 : i64, tpu.core_type = #tpu.core_type<tc>, window_params = [{transform_indices = @transform_0, window_bounds = array<i64: 1024, 128>}, {transform_indices = @transform_1, window_bounds = array<i64: 1024, 128>}, {transform_indices = @transform_2, window_bounds = array<i64: 10, 1024, 128>}, {transform_indices = @transform_3, window_bounds = array<i64: 1, 1, 1024>}, {transform_indices = @transform_4, window_bounds = array<i64: 1, 1, 1024>}, {transform_indices = @transform_5, window_bounds = array<i64: 10, 1024>}, {pipeline_mode = #tpu.pipeline_mode<synchronous>, transform_indices = @transform_6, window_bounds = array<i64: 1, 1>}]} {
    %get3A = arith.constant 0 : index
    %get3A_0 = arith.constant 0 : index
    %get3A_1 = arith.constant 0 : index
    %get3A_2 = vector.load %arg4[%get3A, %get3A_0, %get3A_1] : memref<1x1x1024xf32, #tpu.memory_space<vmem>>, vector<1x1x1024xf32>
    %reshape3A = vector.shape_cast %get3A_2 : vector<1x1x1024xf32> to vector<1024x1xf32>
    %get3A_3 = arith.constant 0 : index
    %get3A_4 = arith.constant 0 : index
    %get3A_5 = arith.constant 0 : index
    %get3A_6 = vector.load %arg5[%get3A_3, %get3A_4, %get3A_5] : memref<1x1x1024xf32, #tpu.memory_space<vmem>>, vector<1x1x1024xf32>
    %reshape3A_7 = vector.shape_cast %get3A_6 : vector<1x1x1024xf32> to vector<1024x1xf32>
    %get3A_8 = arith.constant 0 : index
    %get3A_9 = arith.constant 0 : index
    %get3A_10 = vector.load %arg1[%get3A_8, %get3A_9] : memref<1024x128xf32, #tpu.memory_space<vmem>>, vector<1024x128xf32>
    %slice3A = vector.extract_strided_slice %get3A_10 {offsets = [0, 0], sizes = [1024, 64], strides = [1, 1]} : vector<1024x128xf32> to vector<1024x64xf32>
    %sub3A = arith.constant 1.000000e+00 : f32
    %sub3A_11 = vector.broadcast %sub3A : f32 to vector<1024x1xf32>
    %sub3A_12 = arith.subf %sub3A_11, %reshape3A : vector<1024x1xf32>
    %mul3A = vector.broadcast %sub3A_12 : vector<1024x1xf32> to vector<1024x64xf32>
    %mul3A_13 = arith.mulf %slice3A, %mul3A : vector<1024x64xf32>
    %slice3A_14 = vector.extract_strided_slice %get3A_10 {offsets = [0, 64], sizes = [1024, 64], strides = [1, 1]} : vector<1024x128xf32> to vector<1024x64xf32>
    %mul3A_15 = vector.broadcast %reshape3A : vector<1024x1xf32> to vector<1024x64xf32>
    %mul3A_16 = arith.mulf %slice3A_14, %mul3A_15 : vector<1024x64xf32>
    %add3A = arith.addf %mul3A_13, %mul3A_16 : vector<1024x64xf32>
    %get3A_17 = arith.constant 0 : index
    %get3A_18 = arith.constant 0 : index
    %get3A_19 = vector.load %arg2[%get3A_17, %get3A_18] : memref<1024x128xf32, #tpu.memory_space<vmem>>, vector<1024x128xf32>
    %slice3A_20 = vector.extract_strided_slice %get3A_19 {offsets = [0, 0], sizes = [1024, 64], strides = [1, 1]} : vector<1024x128xf32> to vector<1024x64xf32>
    %sub3A_21 = arith.constant 1.000000e+00 : f32
    %sub3A_22 = vector.broadcast %sub3A_21 : f32 to vector<1024x1xf32>
    %sub3A_23 = arith.subf %sub3A_22, %reshape3A_7 : vector<1024x1xf32>
    %mul3A_24 = vector.broadcast %sub3A_23 : vector<1024x1xf32> to vector<1024x64xf32>
    %mul3A_25 = arith.mulf %slice3A_20, %mul3A_24 : vector<1024x64xf32>
    %slice3A_26 = vector.extract_strided_slice %get3A_19 {offsets = [0, 64], sizes = [1024, 64], strides = [1, 1]} : vector<1024x128xf32> to vector<1024x64xf32>
    %mul3A_27 = vector.broadcast %reshape3A_7 : vector<1024x1xf32> to vector<1024x64xf32>
    %mul3A_28 = arith.mulf %slice3A_26, %mul3A_27 : vector<1024x64xf32>
    %add3A_29 = arith.addf %mul3A_25, %mul3A_28 : vector<1024x64xf32>
    %concatenate3A = tpu.concatenate %add3A, %add3A in 1 : vector<1024x64xf32>, vector<1024x64xf32> -> vector<1024x128xf32>
    %mul3A_30 = arith.mulf %add3A, %add3A_29 : vector<1024x64xf32>
    %reduce_sum3A = arith.constant dense<0.000000e+00> : vector<1024xf32>
    %reduce_sum3A_31 = vector.multi_reduction <add>, %mul3A_30, %reduce_sum3A [1] : vector<1024x64xf32> to vector<1024xf32>
    %broadcast_in_dim3A = vector.shape_cast %reduce_sum3A_31 : vector<1024xf32> to vector<1024x1xf32>
    %get3A_32 = arith.constant 0 : index
    %get3A_33 = arith.constant 0 : index
    %get3A_34 = arith.constant 0 : index
    %get3A_35 = vector.load %arg3[%get3A_32, %get3A_33, %get3A_34] : memref<10x1024x128xf32, #tpu.memory_space<vmem>>, vector<10x1024x128xf32>
    %get3A_36 = arith.constant 0 : index
    %get3A_37 = arith.constant 0 : index
    %get3A_38 = vector.load %arg6[%get3A_36, %get3A_37] : memref<10x1024xf32, #tpu.memory_space<vmem>>, vector<10x1024xf32>
    %iota3A = tpu.iota {dimensions = array<i32: 2>} : vector<10x1024x128xi32>
    %lt3A = arith.constant 64 : i32
    %lt3A_39 = vector.broadcast %lt3A : i32 to vector<10x1024x128xi32>
    %lt3A_40 = arith.cmpi slt, %iota3A, %lt3A_39 : vector<10x1024x128xi32>
    %sub3A_41 = arith.constant 1.000000e+00 : f32
    %sub3A_42 = vector.broadcast %sub3A_41 : f32 to vector<10x1024xf32>
    %sub3A_43 = arith.subf %sub3A_42, %get3A_38 : vector<10x1024xf32>
    %broadcast_in_dim3A_44 = vector.shape_cast %sub3A_43 : vector<10x1024xf32> to vector<10x1024x1xf32>
    %broadcast_in_dim3A_45 = vector.shape_cast %get3A_38 : vector<10x1024xf32> to vector<10x1024x1xf32>
    %broadcast_in_dim3A_46 = vector.shape_cast %broadcast_in_dim3A_44 : vector<10x1024x1xf32> to vector<10x1024x1xf32>
    %broadcast_in_dim3A_47 = vector.broadcast %broadcast_in_dim3A_46 : vector<10x1024x1xf32> to vector<10x1024x128xf32>
    %broadcast_in_dim3A_48 = vector.shape_cast %broadcast_in_dim3A_45 : vector<10x1024x1xf32> to vector<10x1024x1xf32>
    %broadcast_in_dim3A_49 = vector.broadcast %broadcast_in_dim3A_48 : vector<10x1024x1xf32> to vector<10x1024x128xf32>
    %select_n3A = arith.select %lt3A_40, %broadcast_in_dim3A_47, %broadcast_in_dim3A_49 : vector<10x1024x128xi1>, vector<10x1024x128xf32>
    %mul3A_50 = arith.mulf %get3A_35, %select_n3A : vector<10x1024x128xf32>
    %broadcast_in_dim3A_51 = vector.shape_cast %concatenate3A : vector<1024x128xf32> to vector<1x1024x128xf32>
    %mul3A_52 = vector.broadcast %broadcast_in_dim3A_51 : vector<1x1024x128xf32> to vector<10x1024x128xf32>
    %mul3A_53 = arith.mulf %mul3A_50, %mul3A_52 : vector<10x1024x128xf32>
    %reduce_sum3A_54 = arith.constant dense<0.000000e+00> : vector<10x1024xf32>
    %reduce_sum3A_55 = vector.multi_reduction <add>, %mul3A_53, %reduce_sum3A_54 [2] : vector<10x1024x128xf32> to vector<10x1024xf32>
    %min3A = arith.constant 0.000000e+00 : f32
    %min3A_56 = vector.broadcast %min3A : f32 to vector<1024x1xf32>
    %min3A_57 = arith.minimumf %broadcast_in_dim3A, %min3A_56 : vector<1024x1xf32>
    %abs3A = math.absf %broadcast_in_dim3A : vector<1024x1xf32>
    %neg3A = arith.constant 0.000000e+00 : f32
    %neg3A_58 = vector.broadcast %neg3A : f32 to vector<1024x1xf32>
    %neg3A_59 = arith.subf %neg3A_58, %abs3A : vector<1024x1xf32>
    %exp3A = math.exp %neg3A_59 : vector<1024x1xf32>
    %log1p3A = math.log1p %exp3A : vector<1024x1xf32>
    %sub3A_60 = arith.subf %min3A_57, %log1p3A : vector<1024x1xf32>
    %reduce_sum3A_61 = vector.shape_cast %sub3A_60 : vector<1024x1xf32> to vector<1x1024x1xf32>
    %reduce_sum3A_62 = arith.constant dense<0.000000e+00> : vector<1xf32>
    %reduce_sum3A_63 = vector.multi_reduction <add>, %reduce_sum3A_61, %reduce_sum3A_62 [1, 2] : vector<1x1024x1xf32> to vector<1xf32>
    %reduce_sum3A_64 = vector.shape_cast %reduce_sum3A_63 : vector<1xf32> to vector<1x1x1xf32>
    %reduce_sum3A_65 = vector.extract %reduce_sum3A_64[0, 0, 0] : f32 from vector<1x1x1xf32>
    %neg3A_66 = arith.constant 0.000000e+00 : f32
    %neg3A_67 = vector.broadcast %neg3A_66 : f32 to vector<10x1024xf32>
    %neg3A_68 = arith.subf %neg3A_67, %reduce_sum3A_55 : vector<10x1024xf32>
    %min3A_69 = arith.constant 0.000000e+00 : f32
    %min3A_70 = vector.broadcast %min3A_69 : f32 to vector<10x1024xf32>
    %min3A_71 = arith.minimumf %neg3A_68, %min3A_70 : vector<10x1024xf32>
    %abs3A_72 = math.absf %neg3A_68 : vector<10x1024xf32>
    %neg3A_73 = arith.constant 0.000000e+00 : f32
    %neg3A_74 = vector.broadcast %neg3A_73 : f32 to vector<10x1024xf32>
    %neg3A_75 = arith.subf %neg3A_74, %abs3A_72 : vector<10x1024xf32>
    %exp3A_76 = math.exp %neg3A_75 : vector<10x1024xf32>
    %log1p3A_77 = math.log1p %exp3A_76 : vector<10x1024xf32>
    %sub3A_78 = arith.subf %min3A_71, %log1p3A_77 : vector<10x1024xf32>
    %reduce_sum3A_79 = vector.shape_cast %sub3A_78 : vector<10x1024xf32> to vector<1x10x1024xf32>
    %reduce_sum3A_80 = arith.constant dense<0.000000e+00> : vector<1xf32>
    %reduce_sum3A_81 = vector.multi_reduction <add>, %reduce_sum3A_79, %reduce_sum3A_80 [1, 2] : vector<1x10x1024xf32> to vector<1xf32>
    %reduce_sum3A_82 = vector.shape_cast %reduce_sum3A_81 : vector<1xf32> to vector<1x1x1xf32>
    %reduce_sum3A_83 = vector.extract %reduce_sum3A_82[0, 0, 0] : f32 from vector<1x1x1xf32>
    %add3A_84 = arith.addf %reduce_sum3A_65, %reduce_sum3A_83 : f32
    %eq3A = arith.constant 0 : i32
    %eq3A_85 = arith.cmpi eq, %arg0, %eq3A : i32
    %convert_element_type3A = arith.extui %eq3A_85 : i1 to i32
    %cond3A = arith.constant 0 : i32
    %cond3A_86 = arith.cmpi ne, %convert_element_type3A, %cond3A : i32
    scf.if %cond3A_86 {
      %broadcast_in_dim3A_94 = arith.constant 0.000000e+00 : f32
      %broadcast_in_dim3A_95 = vector.broadcast %broadcast_in_dim3A_94 : f32 to vector<1x1xf32>
      %swap3A_96 = arith.constant 0 : index
      %swap3A_97 = arith.constant 0 : index
      %swap3A_98 = vector.load %arg7[%swap3A_96, %swap3A_97] : memref<1x1xf32, #tpu.memory_space<vmem>>, vector<1x1xf32>
      tpu.vector_store %arg7[%swap3A_96, %swap3A_97], %broadcast_in_dim3A_95 {strides = array<i32>} : memref<1x1xf32, #tpu.memory_space<vmem>>, vector<1x1xf32>,
    } else {
    }
    %get3A_87 = arith.constant 0 : index
    %get3A_88 = arith.constant 0 : index
    %get3A_89 = vector.load %arg7[%get3A_87, %get3A_88] : memref<1x1xf32, #tpu.memory_space<vmem>>, vector<1x1xf32>
    %reshape3A_90 = vector.broadcast %add3A_84 : f32 to vector<1x1xf32>
    %add3A_91 = arith.addf %get3A_89, %reshape3A_90 : vector<1x1xf32>
    %swap3A = arith.constant 0 : index
    %swap3A_92 = arith.constant 0 : index
    %swap3A_93 = vector.load %arg7[%swap3A, %swap3A_92] : memref<1x1xf32, #tpu.memory_space<vmem>>, vector<1x1xf32>
    tpu.vector_store %arg7[%swap3A, %swap3A_92], %add3A_91 {strides = array<i32>} : memref<1x1xf32, #tpu.memory_space<vmem>>, vector<1x1xf32>,
    return
  }
  func.func @transform_0(%arg0: i32) -> (i32, i32) {
    %c0_i32 = arith.constant 0 : i32
    %c0_i32_0 = arith.constant 0 : i32
    return %arg0, %c0_i32 : i32, i32
  }
  func.func @transform_1(%arg0: i32) -> (i32, i32) {
    %c0_i32 = arith.constant 0 : i32
    %c0_i32_0 = arith.constant 0 : i32
    return %arg0, %c0_i32 : i32, i32
  }
  func.func @transform_2(%arg0: i32) -> (i32, i32, i32) {
    %c0_i32 = arith.constant 0 : i32
    %c0_i32_0 = arith.constant 0 : i32
    %c0_i32_1 = arith.constant 0 : i32
    return %c0_i32, %arg0, %c0_i32_0 : i32, i32, i32
  }
  func.func @transform_3(%arg0: i32) -> (i32, i32, i32) {
    %c0_i32 = arith.constant 0 : i32
    %c0_i32_0 = arith.constant 0 : i32
    %c0_i32_1 = arith.constant 0 : i32
    return %arg0, %c0_i32, %c0_i32_0 : i32, i32, i32
  }
  func.func @transform_4(%arg0: i32) -> (i32, i32, i32) {
    %c0_i32 = arith.constant 0 : i32
    %c0_i32_0 = arith.constant 0 : i32
    %c0_i32_1 = arith.constant 0 : i32
    return %arg0, %c0_i32, %c0_i32_0 : i32, i32, i32
  }
  func.func @transform_5(%arg0: i32) -> (i32, i32) {
    %c0_i32 = arith.constant 0 : i32
    %c0_i32_0 = arith.constant 0 : i32
    return %c0_i32, %arg0 : i32, i32
  }
  func.func @transform_6(%arg0: i32) -> (i32, i32) {
    %c0_i32 = arith.constant 0 : i32
    %c0_i32_0 = arith.constant 0 : i32
    %c0_i32_1 = arith.constant 0 : i32
    return %c0_i32, %c0_i32_0 : i32, i32
  }
}

</mosaic_0001>

<sc_bundles>
// kernel: kernel.10.cloned.1.call-start
scs
__scs_entry_jumppad:
0x0: {  	(pc) =	sbr.rel $0x88, $3  }
0x1: {  	(tag) =	ssettag $0x0;
	lr =	simm.s32 $0x1  }
0x2: {  	[smem:$0x3F9D] =	sst lr;
	_ =	strace $0xD0000000  }
0x3: {  	_ = 	snop  }
0x4: {  	_ = 	snop  }
0x5: {  	_ = 	snop  }
0x6: {  	_ = 	snop  }
0x7: {  	_ = 	snop  }
__scs_overlays_trampoline_lowered:
0x8: {  	[smem:$0x3FAC] =	sst s0  }
0x9: {  	[smem:$0x3FAD] =	sst s1  }
0xa: {  	[smem:$0x3FAE] =	sst s2  }
0xb: {  	[smem:$0x3FAF] =	sst s3  }
0xc: {  	[smem:$0x3FB0] =	sst s4  }
0xd: {  	[smem:$0x3FB1] =	sst s5  }
0xe: {  	[smem:$0x3FB2] =	sst s6  }
0xf: {  	[smem:$0x3FB3] =	sst s7  }
0x10: {  	[smem:$0x3FB4] =	sst s8  }
0x11: {  	[smem:$0x3FB5] =	sst s9;
	s0 =	simm.s32 @!p0 $0x0  }
0x12: {  	s1 =	sld [smem:$0x3F9B];
	s0 =	simm.s32 @p0 $0x1  }
0x13: {  	[smem:$0x3FB6] =	sst s0;
	s0 =	simm.s32 @!p1 $0x0  }
0x14: {  	s2 =	sld [smem:$0x3F9A];
	s0 =	simm.s32 @p1 $0x1  }
0x15: {  	[smem:$0x3FB7] =	sst s0;
	s0 =	simm.s32 @!p2 $0x0  }
0x16: {  	s3 =	sld [smem:$0x3FDB];
	s0 =	simm.s32 @p2 $0x1  }
0x17: {  	s4 =	simm.s32 $0x1BF5;
	[smem:$0x3FB9] =	sst s0  }
0x18: {  	s0 =	sld [smem:$0x3F9C];
	_ =	swait.ge [sflag:s4], $0x0  }
0x19: {  	s7 =	sld [smem:$0x3F9D]  }
0x1a: {  	s8 =	sadd.s32 $0xFFFFE003, lr  }
0x1b: {  	s9 =	sadd.s32 $0xFFFFFEF7, lr;
	s5 =	simm.s32 $0xFFFFFFFF;
	p2 =	slt.u32 s8, $0xFFFFF086  }
0x1c: {  	p1 =	slt.u32 s9, $0xF7A;
	s5 =	simm.s32 @!p2 $0x0  }
0x1d: {  	s5 =	simm.s32 @p1 $0x1;
	p0 =	seq.s32 s7, s2  }
0x1e: {  	s7 =	smul.u32 @!p0 $0xF7A, s2;
	p2 =	seq.s32 @!p0 s5, $0x0  }
0x1f: {  	s9 =	smul.u32 $0xF7A, s1;
	s8 =	simm.s32 @!p0 $0x1BF5;
	p2 =	por !p2, p0  }
0x20: {  	[sflag:s8] =	ssyncset.s32 @!p0 $0xFFFFF086;
	s6 =	sadd.s32 @!p0 s3, s7;
	s7 =	simm.s32 @!p0 $0x108  }
0x21: {  	s3 =	sadd.s32 s3, s9;
	s6 =	sadd.s32 @!p0 $0x88, s6;
	s7 =	simm.s32 @p2 $0x1082  }
0x22: {  	[simem:s7], [sflag:s8] =	dma.local @!p0 [hbm:s6], $0xF7A  }
0x23: {  	s9 =	sor.u32 $0xD0000000, s2;
	s6 =	simm.s32 $0x108;
	_ =	swait.ge @!p0 [sflag:s8], $0x0  }
0x24: {  	s3 =	sadd.s32 $0x88, s3;
	s6 =	simm.s32 @!p1 $0x1082;
	[sflag:s4] =	ssyncset.s32 $0xFFFFF086  }
0x25: {  	[simem:s6], [sflag:s4] =	dma.local [hbm:s3], $0xF7A  }
0x26: {  	[smem:$0x3F9D] =	sst s1;
	(tag) =	ssettag s2;
	_ =	strace s9  }
0x27: {  	s1 =	sld [smem:$0x3FAD]  }
0x28: {  	s2 =	sld [smem:$0x3FAE]  }
0x29: {  	s4 =	sld [smem:$0x3FB0]  }
0x2a: {  	p0 =	seq.s32 s5, $0x0;
	s5 =	sld [smem:$0x3FB1]  }
0x2b: {  	s6 =	sld [smem:$0x3FB2]  }
0x2c: {  	s7 =	sld [smem:$0x3FB3]  }
0x2d: {  	s3 =	simm.s32 $0x108;
	s8 =	sld [smem:$0x3FB4]  }
0x2e: {  	s3 =	simm.s32 @!p0 $0x1082;
	s9 =	sld [smem:$0x3FB5]  }
0x2f: {  	lr =	sadd.s32 s0, s3;
	s0 =	sld [smem:$0x3FAC]  }
0x30: {  	s3 =	sld [smem:$0x3FAF]  }
0x31: {  	[smem:$0x3FB8] =	sst s10  }
0x32: {  	s10 =	sld [smem:$0x3FB6];
	_ =	sdelay $0x3  }
0x33: {  	p0 =	seq.s32 s10, $0x1;
	s10 =	sld [smem:$0x3FB8];
	_ =	sdelay $0x3  }
0x34: {  	[smem:$0x3FB8] =	sst s10  }
0x35: {  	s10 =	sld [smem:$0x3FB7];
	_ =	sdelay $0x3  }
0x36: {  	p1 =	seq.s32 s10, $0x1;
	s10 =	sld [smem:$0x3FB8];
	_ =	sdelay $0x3  }
0x37: {  	[smem:$0x3FB8] =	sst s10  }
0x38: {  	s10 =	sld [smem:$0x3FB9]  }
0x39: {  	_ = 	snop;
	(pc) =	sbr.ind lr, $3  }
0x3a: {  	_ = 	snop  }
0x3b: {  	_ = 	snop  }
0x3c: {  	p2 =	seq.s32 s10, $0x1;
	s10 =	sld [smem:$0x3FB8]  }
0x3d: {  	_ =	shalt  }
0x3e: {  	_ =	shalt  }
0x3f: {  	_ =	shalt  }
0x40: {  	_ =	shalt  }
0x41: {  	_ =	shalt  }
0x42: {  	_ =	shalt  }
0x43: {  	_ =	shalt  }
0x44: {  	_ =	shalt  }
0x45: {  	_ =	shalt  }
0x46: {  	_ =	shalt  }
0x47: {  	_ =	shalt  }
0x48: {  	_ =	shalt  }
0x49: {  	_ =	shalt  }
0x4a: {  	_ =	shalt  }
0x4b: {  	_ =	shalt  }
0x4c: {  	_ =	shalt  }
0x4d: {  	_ =	shalt  }
0x4e: {  	_ =	shalt  }
0x4f: {  	_ =	shalt  }
0x50: {  	_ =	shalt  }
0x51: {  	_ =	shalt  }
0x52: {  	_ =	shalt  }
0x53: {  	_ =	shalt  }
0x54: {  	_ =	shalt  }
0x55: {  	_ =	shalt  }
0x56: {  	_ =	shalt  }
0x57: {  	_ =	shalt  }
0x58: {  	_ =	shalt  }
0x59: {  	_ =	shalt  }
0x5a: {  	_ =	shalt  }
0x5b: {  	_ =	shalt  }
0x5c: {  	_ =	shalt  }
0x5d: {  	_ =	shalt  }
0x5e: {  	_ =	shalt  }
0x5f: {  	_ =	shalt  }
0x60: {  	_ =	shalt  }
0x61: {  	_ =	shalt  }
0x62: {  	_ =	shalt  }
0x63: {  	_ =	shalt  }
0x64: {  	_ =	shalt  }
0x65: {  	_ =	shalt  }
0x66: {  	_ =	shalt  }
0x67: {  	_ =	shalt  }
0x68: {  	_ =	shalt  }
0x69: {  	_ =	shalt  }
0x6a: {  	_ =	shalt  }
0x6b: {  	_ =	shalt  }
0x6c: {  	_ =	shalt  }
0x6d: {  	_ =	shalt  }
0x6e: {  	_ =	shalt  }
0x6f: {  	_ =	shalt  }
0x70: {  	_ =	shalt  }
0x71: {  	_ =	shalt  }
0x72: {  	_ =	shalt  }
0x73: {  	_ =	shalt  }
0x74: {  	_ =	shalt  }
0x75: {  	_ =	shalt  }
0x76: {  	_ =	shalt  }
0x77: {  	_ =	shalt  }
0x78: {  	_ =	shalt  }
0x79: {  	_ =	shalt  }
0x7a: {  	_ =	shalt  }
0x7b: {  	_ =	shalt  }
0x7c: {  	_ =	shalt  }
0x7d: {  	_ =	shalt  }
0x7e: {  	_ =	shalt  }
0x7f: {  	_ =	shalt  }
0x80: {  	_ =	shalt  }
0x81: {  	_ =	shalt  }
0x82: {  	_ =	shalt  }
0x83: {  	_ =	shalt  }
0x84: {  	_ =	shalt  }
0x85: {  	_ =	shalt  }
0x86: {  	_ =	shalt  }
0x87: {  	_ =	shalt  }
.Lfunc_end0:
.L_simem_size_0:
called_computation.1_lowered:
.L_overlay_start_0:
0x88: {  	s2 =	sld [smem:$0x3FD9]  }
0x89: {  	s3 =	sld [smem:$0x3FFE];
	_ =	sdelay $0x1  }
0x8a: {  	s1 =	srdreg.scid  }
0x8b: {  	s0 =	sand.u32 $0x1, s1  }
0x8c: {  	s17 =	sshll.u32 s0, $0xA;
	s2 =	sadd.s32 s3, s2  }
0x8d: {  	s2 =	sadd.s32 s2, s17  }
0x8e: {  	[smem:$0x3FC4] =	sst s2  }
0x8f: {  	_ = 	snop  }
0x90: {  	(tm) =	ssettm $0x1  }
0x91: {  	s18 =	sld [smem:$0x3FFB];
	_ =	sdelay $0x3  }
0x92: {  	_ =	strace s18  }
0x93: {  	s2 =	sld [smem:$0x3FFC];
	_ =	sdelay $0x3  }
0x94: {  	_ =	strace s2  }
0x95: {  	s2 =	sld [smem:$0x3FFD];
	_ =	sdelay $0x3  }
0x96: {  	_ =	strace s2  }
0x97: {  	_ =	strace $0x8FFFFFFF  }
0x98: {  	s19 =	sld [smem:$0x3FDB];
	_ =	sdelay $0x1  }
0x99: {  	s20 =	simm.s32 $_scs_section_size  }
0x9a: {  	s4 =	simm.s32 $_size__tile_overlayer_lowered;
	s5 =	simm.s32 $_tile_overlayer_lowered  }
0x9b: {  	s6 =	simm.s32 $0x1BFF;
	s21 =	sshll.u32 s5, $0x1;
	s3 =	sadd.s32 s20, s19  }
0x9c: {  	s22 =	simm.s32 $0x0;
	s4 =	sshll.u32 s4, $0x1;
	s5 =	sadd.s32 s21, s3  }
0x9d: {  	[timem:s22], [sflag:s6] =	dma.local [hbm:s5], s4  }
0x9e: {  	_ =	swait.ge [sflag:s6], s4  }
0x9f: {  	s4 =	ssub.s32 $0x0, s4;
	[sflag:s6] =	ssyncset.done $0x0  }
0xa0: {  	[sflag:s6] =	ssyncadd.s32 s4;
	_ =	sdelay $0x1  }
0xa1: {  	s23 =	simm.s32 $0x1B8B  }
0xa2: {  	_ =	swait.ge [sflag:s23], $0x1  }
0xa3: {  	[sflag:s23] =	ssyncset.done $0x0  }
0xa4: {  	[sflag:s23] =	ssyncadd.s32 $0xFFFFFFFF  }
0xa5: {  	s4 =	sld [smem:$0x0]  }
0xa6: {  	s5 =	sand.u32 $0xFFFFFFFE, s1  }
0xa7: {  	p0 =	sne.s32 s1, s5  }
0xa8: {  	s5 =	sshll.u32 @p0 s5, $0xE  }
0xa9: {  	s5 =	sadd.s32 @p0 $0x11B8D, s5;
	s6 =	sshll.u32 @p0 s4, $0x11  }
0xaa: {  	s5 =	sor.u32 @p0 s6, s5  }
0xab: {  	[sflag:s5] =	ssyncadd.remote.s32 @p0 $0x1;
	_ =	sdelay $0x1  }
0xac: {  	s5 =	simm.s32 @p0 $0x1B8D  }
0xad: {  	_ =	swait.eq @p0 [sflag:s5], $0x1  }
0xae: {  	[sflag:s5] =	ssyncadd.s32 @p0 $0xFFFFFFFF  }
0xaf: {  	s6 =	sshll.u32 @!p0 s1, $0xE  }
0xb0: {  	s6 =	sor.u32 @!p0 $0x4000, s6;
	s5 =	simm.s32 @!p0 $0x1B8D  }
0xb1: {  	s4 =	sshll.u32 @!p0 s4, $0x11;
	s6 =	sadd.s32 @!p0 $0x11B8D, s6;
	_ =	swait.eq @!p0 [sflag:s5], $0x1  }
0xb2: {  	s4 =	sor.u32 @!p0 s4, s6;
	[sflag:s5] =	ssyncadd.s32 @!p0 $0xFFFFFFFF  }
0xb3: {  	s25 =	simm.s32 $0x1B8E;
	s24 =	sld [smem:$0x3FFE];
	[sflag:s4] =	ssyncadd.remote.s32 @!p0 $0x1  }
0xb4: {  	s26 =	simm.s32 $execute0_lowered;
	[smem:$0x3FD2] =	sst s25  }
0xb5: {  	s5 =	sshll.u32 s26, $0x1;
	_ =	strace $0x80000049;
	[dreg:$0x1] =	wrdreg $0xFFFFFFFF  }
0xb6: {  	s28 =	simm.s32 $_size_execute0_lowered;
	s3 =	sadd.s32 s3, s5;
	[dreg:$0x0] =	wrdreg $0x0  }
0xb7: {  	s5 =	sshll.u32 s28, $0x1;
	[dreg:$0x2] =	wrdreg s3  }
0xb8: {  	[dreg:$0x3] =	wrdreg s5  }
0xb9: {  	[dreg:$0x4] =	wrdreg $0xC0  }
0xba: {  	_ =	task [dreg:s22], $0x5FFFF  }
0xbb: {  	[dreg:$0x1] =	wrdreg $0xFFFFFFFF  }
0xbc: {  	[dreg:$0x0] =	wrdreg $0x60  }
0xbd: {  	[dreg:$0x2] =	wrdreg s24  }
0xbe: {  	[dreg:$0x3] =	wrdreg $0xA  }
0xbf: {  	_ =	task.clear_ibuf [dreg:s22], $0x4FFFF;
	_ =	strace $0x90000049  }
0xc0: {  	s29 =	simm.s32 $0xA;
	_ =	strace $0x8000004B  }
0xc1: {  	_ =	swait.ge [sflag:s29], $0x1  }
0xc2: {  	[sflag:s29] =	ssyncadd.s32 $0xFFFFFFFF  }
0xc3: {  	_ =	strace $0x9000004B  }
0xc4: {  	_ =	sfence  }
0xc5: {  	s30 =	sld [smem:$0x0];
	_ =	sdelay $0x2  }
0xc6: {  	s31 =	sshll.u32 s1, $0xD;
	s1 =	sshrl.u32 s1, $0x2  }
0xc7: {  	s4 =	sand.u32 $0x4000, s31;
	s1 =	sadd.s32 s1, s30  }
0xc8: {  	s0 =	sor.u32 s4, s0;
	s1 =	sshll.u32 s1, $0x11  }
0xc9: {  	s0 =	sor.u32 s1, s0  }
0xca: {  	s0 =	sadd.s32 $0x8F2B, s0  }
0xcb: {  	[sflag:s0] =	ssyncadd.remote.s32 $0x1  }
0xcc: {  	_ =	sfence.sel $0xFFFF  }
0xcd: {  	[dreg:$0x0] =	wrdreg $0xFFFFFFFF;
	(pc) =	sbr.abs _section_cstart, $3  }
0xce: {  	[dreg:$0x1] =	wrdreg $0xFFFFFFFF  }
0xcf: {  	_ =	task.clear_ibuf [dreg:s22], $0x2FFFF;
	_ =	strace $0x9FFFFFFF  }
0xd0: {  	(tm) =	ssettm $0x7FFFFFFF  }
0xd1: {  	_ =	shalt  }
tec
execute0_lowered:
.L_overlay_start_1:
0x0: {  	(tag) =	ssettag $0x1  }
0x1: {  	s4 =	rddreg [dreg:$0x0]  }
0x2: {  	s0 =	rddreg [dreg:$0x1];
	s1 =	simm.s32 $0x0  }
0x3: {  	s3 =	srdreg.scid;
	s2 =	stileid.u32;
	s10 =	sadd.s32 $0xFC5400, s4  }
0x4: {  	s14 =	sand.u32 $0x1, s3;
	s16 =	sadd.s32 $0xFC6400, s4;
	s3 =	sadd.s32 $0x805400, s4  }
0x5: {  	[smem:$0x7FF] =	sst s1;
	s12 =	sadd.s32 $0xFCB400, s4;
	s13 =	smul.u32 $0x2800, s2  }
0x6: {  	s6 =	sshll.u32 s2, $0x1;
	s15 =	sadd.s32 $0x100B400, s4;
	s30 =	smul.u32 $0x28000, s2  }
0x7: {  	_ =	strace $0x8000004A;
	s5 =	ssub.s32 $0x2, s14;
	s19 =	smul.u32 $0x1400, s14  }
0x8: {  	s6 =	sor.u32 s14, s6;
	s20 =	smul.u32 $0x14000, s14;
	s7 =	sshrl.u32 s5, $0x1  }
0x9: {  	s8 =	sshll.u32 s6, $0x9;
	s21 =	sshll.u32 s6, $0x6;
	s11 =	sshll.u32 s6, $0xD  }
0xa: {  	s5 =	ssub.s32 s5, s7;
	s9 =	sor.u32 $0x80, s8;
	s7 =	sadd.s32 s12, s11  }
0xb: {  	s23 =	sor.u32 $0x100, s8;
	s17 =	sor.u32 $0x180, s8;
	s25 =	sadd.s32 s19, s13  }
0xc: {  	s19 =	simm.s32 $0x100;
	s4 =	smax.u32 s5, $0x1;
	s22 =	sshrl.u32 s9, $0x3  }
0xd: {  	s5 =	sadd.s32 s10, s21;
	s9 =	sshll.u32 s9, $0x4;
	s18 =	sshrl.u32 s23, $0x3  }
0xe: {  	s24 =	sshrl.u32 s17, $0x3;
	s11 =	sshll.u32 s23, $0x4;
	s26 =	sshll.u32 s17, $0x4  }
0xf: {  	s28 =	sor.u32 $0x80, s25;
	s31 =	sshrl.u32 s25, $0x3;
	s21 =	simm.s32 $0x1  }
0x10: {  	s23 =	simm.s32 $0x0;
	s6 =	sadd.s32 s10, s22;
	s8 =	sadd.s32 s12, s9  }
0x11: {  	s9 =	sadd.s32 s10, s18;
	s10 =	sadd.s32 s10, s24;
	s11 =	sadd.s32 s12, s11  }
0x12: {  	s12 =	sadd.s32 s12, s26;
	s29 =	sshll.u32 s28, $0x4;
	s17 =	sshrl.u32 s28, $0x3  }
0x13: {  	s18 =	simm.s32 $0x80;
	s22 =	simm.s32 $0x2;
	s13 =	sadd.s32 s29, s15  }
0x14: {  	s14 =	sadd.s32 s17, s16;
	s15 =	sadd.s32 s30, s15;
	s16 =	sadd.s32 s31, s16  }
0x15: {  	s17 =	simm.s32 $0x3;
	s15 =	sadd.s32 s20, s15;
	s20 =	simm.s32 $0x4100  }
.LBB2_1:
0x16: {  	[tilespmem:s1], [sflag:$0x3] =	stream.linear.gather [hbm4b:s5+s1], $0x80, $0x38;
	[tilespmem:$0x8100] =	vst v63  }
0x17: {  	_ =	swait.ge [sflag:s17], $0x80  }
0x18: {  	[sflag:s17] =	ssyncset.done $0x0  }
0x19: {  	[sflag:s17] =	ssyncadd.s32 $0xFFFFFF80  }
0x1a: {  	[tilespmem:s19], [sflag:$0x1] =	stream.indirect.gather [hbm4b:s3+s18], $0x80, s1, s18, $0xb8;
	[tilespmem:$0x8100] =	vst v63  }
0x1b: {  	_ = 	snop  }
0x1c: {  	[tilespmem:s18], [sflag:$0x3] =	stream.linear.gather [hbm4b:s6+s1], $0x80, $0x38;
	[tilespmem:$0x8100] =	vst v63  }
0x1d: {  	_ =	swait.ge [sflag:s17], $0x80  }
0x1e: {  	[sflag:s17] =	ssyncset.done $0x0  }
0x1f: {  	[sflag:s17] =	ssyncadd.s32 $0xFFFFFF80  }
0x20: {  	[tilespmem:s20], [sflag:$0x2] =	stream.indirect.gather [hbm4b:s3+s18], $0x80, s18, s18, $0xb8;
	[tilespmem:$0x8100] =	vst v63  }
0x21: {  	_ =	swait.ge [sflag:s21], $0x4000  }
0x22: {  	[sflag:s21] =	ssyncset.done $0x0  }
0x23: {  	[sflag:s21] =	ssyncadd.s32 $0xFFFFC000  }
0x24: {  	[hbm4b:s7+s1] =	stream.linear.scatter [tilespmem:s19], [sflag:$0x3], $0x4000, $0x38;
	[tilespmem:$0x8100] =	vst v63  }
0x25: {  	_ =	swait.ge [sflag:s17], $0x4000  }
0x26: {  	[sflag:s17] =	ssyncset.done $0x0  }
0x27: {  	[sflag:s17] =	ssyncadd.s32 $0xFFFFC000  }
0x28: {  	_ =	swait.ge [sflag:s22], $0x4000  }
0x29: {  	[sflag:s22] =	ssyncset.done $0x0  }
0x2a: {  	[sflag:s22] =	ssyncadd.s32 $0xFFFFC000  }
0x2b: {  	[hbm4b:s8+s1] =	stream.linear.scatter [tilespmem:s20], [sflag:$0x3], $0x4000, $0x38;
	[tilespmem:$0x8100] =	vst v63  }
0x2c: {  	_ =	swait.ge [sflag:s17], $0x4000  }
0x2d: {  	[sflag:s17] =	ssyncset.done $0x0  }
0x2e: {  	[sflag:s17] =	ssyncadd.s32 $0xFFFFC000  }
0x2f: {  	[tilespmem:s1], [sflag:$0x3] =	stream.linear.gather [hbm4b:s9+s1], $0x80, $0x38;
	[tilespmem:$0x8100] =	vst v63  }
0x30: {  	_ =	swait.ge [sflag:s17], $0x80  }
0x31: {  	[sflag:s17] =	ssyncset.done $0x0  }
0x32: {  	[sflag:s17] =	ssyncadd.s32 $0xFFFFFF80  }
0x33: {  	[tilespmem:s19], [sflag:$0x1] =	stream.indirect.gather [hbm4b:s3+s18], $0x80, s1, s18, $0xb8;
	[tilespmem:$0x8100] =	vst v63  }
0x34: {  	_ = 	snop  }
0x35: {  	[tilespmem:s18], [sflag:$0x3] =	stream.linear.gather [hbm4b:s10+s1], $0x80, $0x38;
	[tilespmem:$0x8100] =	vst v63  }
0x36: {  	_ =	swait.ge [sflag:s17], $0x80  }
0x37: {  	[sflag:s17] =	ssyncset.done $0x0  }
0x38: {  	[sflag:s17] =	ssyncadd.s32 $0xFFFFFF80  }
0x39: {  	[tilespmem:s20], [sflag:$0x2] =	stream.indirect.gather [hbm4b:s3+s18], $0x80, s18, s18, $0xb8;
	[tilespmem:$0x8100] =	vst v63  }
0x3a: {  	_ =	swait.ge [sflag:s21], $0x4000  }
0x3b: {  	[sflag:s21] =	ssyncset.done $0x0  }
0x3c: {  	[sflag:s21] =	ssyncadd.s32 $0xFFFFC000  }
0x3d: {  	[hbm4b:s11+s1] =	stream.linear.scatter [tilespmem:s19], [sflag:$0x3], $0x4000, $0x38;
	[tilespmem:$0x8100] =	vst v63  }
0x3e: {  	_ =	swait.ge [sflag:s17], $0x4000  }
0x3f: {  	[sflag:s17] =	ssyncset.done $0x0  }
0x40: {  	[sflag:s17] =	ssyncadd.s32 $0xFFFFC000  }
0x41: {  	_ =	swait.ge [sflag:s22], $0x4000  }
0x42: {  	[sflag:s22] =	ssyncset.done $0x0  }
0x43: {  	[sflag:s22] =	ssyncadd.s32 $0xFFFFC000  }
0x44: {  	[hbm4b:s12+s1] =	stream.linear.scatter [tilespmem:s20], [sflag:$0x3], $0x4000, $0x38;
	[tilespmem:$0x8100] =	vst v63  }
0x45: {  	_ =	swait.ge [sflag:s17], $0x4000  }
0x46: {  	[sflag:s17] =	ssyncset.done $0x0  }
0x47: {  	s24 =	sadd.s32 $0x0, s16;
	[sflag:s17] =	ssyncadd.s32 $0xFFFFC000  }
0x48: {  	[tilespmem:s1], [sflag:$0x3] =	stream.linear.gather [hbm4b:s24+s1], $0x80, $0x38;
	[tilespmem:$0x8100] =	vst v63  }
0x49: {  	_ =	swait.ge [sflag:s17], $0x80  }
0x4a: {  	[sflag:s17] =	ssyncset.done $0x0  }
0x4b: {  	[sflag:s17] =	ssyncadd.s32 $0xFFFFFF80  }
0x4c: {  	[tilespmem:s19], [sflag:$0x1] =	stream.indirect.gather [hbm4b:s3+s18], $0x80, s1, s18, $0xb8;
	[tilespmem:$0x8100] =	vst v63  }
0x4d: {  	s31 =	sadd.s32 $0x0, s14  }
0x4e: {  	[tilespmem:s18], [sflag:$0x3] =	stream.linear.gather [hbm4b:s31+s1], $0x80, $0x38;
	[tilespmem:$0x8100] =	vst v63  }
0x4f: {  	_ =	swait.ge [sflag:s17], $0x80  }
0x50: {  	[sflag:s17] =	ssyncset.done $0x0  }
0x51: {  	[sflag:s17] =	ssyncadd.s32 $0xFFFFFF80  }
0x52: {  	[tilespmem:s20], [sflag:$0x2] =	stream.indirect.gather [hbm4b:s3+s18], $0x80, s18, s18, $0xb8;
	[tilespmem:$0x8100] =	vst v63  }
0x53: {  	_ =	swait.ge [sflag:s21], $0x4000  }
0x54: {  	[sflag:s21] =	ssyncset.done $0x0  }
0x55: {  	[sflag:s21] =	ssyncadd.s32 $0xFFFFC000  }
0x56: {  	[hbm4b:s15+s1] =	stream.linear.scatter [tilespmem:s19], [sflag:$0x3], $0x4000, $0x38;
	[tilespmem:$0x8100] =	vst v63  }
0x57: {  	_ =	swait.ge [sflag:s17], $0x4000  }
0x58: {  	[sflag:s17] =	ssyncset.done $0x0  }
0x59: {  	[sflag:s17] =	ssyncadd.s32 $0xFFFFC000  }
0x5a: {  	_ =	swait.ge [sflag:s22], $0x4000  }
0x5b: {  	[sflag:s22] =	ssyncset.done $0x0  }
0x5c: {  	[sflag:s22] =	ssyncadd.s32 $0xFFFFC000  }
0x5d: {  	[hbm4b:s13+s1] =	stream.linear.scatter [tilespmem:s20], [sflag:$0x3], $0x4000, $0x38;
	[tilespmem:$0x8100] =	vst v63  }
0x5e: {  	s26 =	simm.s32 $0x20;
	s28 =	simm.s32 $0x40;
	_ =	swait.ge [sflag:s17], $0x4000  }
0x5f: {  	s25 =	sadd.s32 $0x1000, s15;
	s24 =	sadd.s32 $0x1000, s13;
	[sflag:s17] =	ssyncset.done $0x0  }
.LBB2_2:
0x60: {  	s29 =	sadd.s32 s26, s16  }
0x61: {  	[sflag:s17] =	ssyncadd.s32 $0xFFFFC000;
	s30 =	smov.u32 s28;
	s31 =	sadd.s32 $0x20, s28  }
0x62: {  	[tilespmem:s1], [sflag:$0x3] =	stream.linear.gather [hbm4b:s29+s1], $0x80, $0x38;
	[tilespmem:$0x8100] =	vst v63  }
0x63: {  	p0 =	sne.s32 s28, $0x260;
	_ =	swait.ge [sflag:s17], $0x80  }
0x64: {  	[sflag:s17] =	ssyncset.done $0x0  }
0x65: {  	[sflag:s17] =	ssyncadd.s32 $0xFFFFFF80  }
0x66: {  	[tilespmem:s19], [sflag:$0x1] =	stream.indirect.gather [hbm4b:s3+s18], $0x80, s1, s18, $0xb8;
	[tilespmem:$0x8100] =	vst v63  }
0x67: {  	s28 =	sadd.s32 s26, s14;
	s26 =	smov.u32 s30  }
0x68: {  	[tilespmem:s18], [sflag:$0x3] =	stream.linear.gather [hbm4b:s28+s1], $0x80, $0x38;
	[tilespmem:$0x8100] =	vst v63  }
0x69: {  	_ =	swait.ge [sflag:s17], $0x80  }
0x6a: {  	[sflag:s17] =	ssyncset.done $0x0  }
0x6b: {  	[sflag:s17] =	ssyncadd.s32 $0xFFFFFF80  }
0x6c: {  	[tilespmem:s20], [sflag:$0x2] =	stream.indirect.gather [hbm4b:s3+s18], $0x80, s18, s18, $0xb8;
	[tilespmem:$0x8100] =	vst v63  }
0x6d: {  	_ =	swait.ge [sflag:s21], $0x4000  }
0x6e: {  	[sflag:s21] =	ssyncset.done $0x0  }
0x6f: {  	[sflag:s21] =	ssyncadd.s32 $0xFFFFC000  }
0x70: {  	[hbm4b:s25+s1] =	stream.linear.scatter [tilespmem:s19], [sflag:$0x3], $0x4000, $0x38;
	[tilespmem:$0x8100] =	vst v63  }
0x71: {  	_ =	swait.ge [sflag:s17], $0x4000  }
0x72: {  	[sflag:s17] =	ssyncset.done $0x0  }
0x73: {  	[sflag:s17] =	ssyncadd.s32 $0xFFFFC000  }
0x74: {  	_ =	swait.ge [sflag:s22], $0x4000  }
.Ltmp0:
0x75: {  	[sflag:s22] =	ssyncset.done $0x0;
	(pc) =	sbr.rel @p0 .LBB2_2-.Ltmp0, $4  }
0x76: {  	[sflag:s22] =	ssyncadd.s32 $0xFFFFC000  }
0x77: {  	[hbm4b:s24+s1] =	stream.linear.scatter [tilespmem:s20], [sflag:$0x3], $0x4000, $0x38;
	[tilespmem:$0x8100] =	vst v63  }
0x78: {  	s28 =	smov.u32 s31;
	_ =	swait.ge [sflag:s17], $0x4000  }
0x79: {  	s25 =	sadd.s32 $0x1000, s25;
	s24 =	sadd.s32 $0x1000, s24;
	[sflag:s17] =	ssyncset.done $0x0  }
0x7a: {  	s28 =	sadd.s32 s26, s16;
	[sflag:s17] =	ssyncadd.s32 $0xFFFFC000  }
0x7b: {  	[tilespmem:s1], [sflag:$0x3] =	stream.linear.gather [hbm4b:s28+s1], $0x80, $0x38;
	[tilespmem:$0x8100] =	vst v63  }
0x7c: {  	_ =	swait.ge [sflag:s17], $0x80  }
0x7d: {  	[sflag:s17] =	ssyncset.done $0x0  }
0x7e: {  	[sflag:s17] =	ssyncadd.s32 $0xFFFFFF80  }
0x7f: {  	[tilespmem:s19], [sflag:$0x1] =	stream.indirect.gather [hbm4b:s3+s18], $0x80, s1, s18, $0xb8;
	[tilespmem:$0x8100] =	vst v63  }
0x80: {  	s31 =	sadd.s32 s26, s14  }
0x81: {  	[tilespmem:s18], [sflag:$0x3] =	stream.linear.gather [hbm4b:s31+s1], $0x80, $0x38;
	[tilespmem:$0x8100] =	vst v63  }
0x82: {  	_ =	swait.ge [sflag:s17], $0x80  }
0x83: {  	[sflag:s17] =	ssyncset.done $0x0  }
0x84: {  	[sflag:s17] =	ssyncadd.s32 $0xFFFFFF80  }
0x85: {  	[tilespmem:s20], [sflag:$0x2] =	stream.indirect.gather [hbm4b:s3+s18], $0x80, s18, s18, $0xb8;
	[tilespmem:$0x8100] =	vst v63  }
0x86: {  	_ =	swait.ge [sflag:s21], $0x4000  }
0x87: {  	[sflag:s21] =	ssyncset.done $0x0  }
0x88: {  	[sflag:s21] =	ssyncadd.s32 $0xFFFFC000  }
0x89: {  	[hbm4b:s25+s1] =	stream.linear.scatter [tilespmem:s19], [sflag:$0x3], $0x4000, $0x38;
	[tilespmem:$0x8100] =	vst v63  }
0x8a: {  	_ =	swait.ge [sflag:s17], $0x4000  }
0x8b: {  	[sflag:s17] =	ssyncset.done $0x0  }
0x8c: {  	[sflag:s17] =	ssyncadd.s32 $0xFFFFC000  }
0x8d: {  	s23 =	sadd.s32 $0x1, s23;
	_ =	swait.ge [sflag:s22], $0x4000  }
0x8e: {  	p0 =	sne.s32 s23, s4;
	[sflag:s22] =	ssyncset.done $0x0  }
.Ltmp1:
0x8f: {  	[sflag:s22] =	ssyncadd.s32 $0xFFFFC000;
	(pc) =	sbr.rel @p0 .LBB2_1-.Ltmp1, $4  }
0x90: {  	[hbm4b:s24+s1] =	stream.linear.scatter [tilespmem:s20], [sflag:$0x3], $0x4000, $0x38;
	[tilespmem:$0x8100] =	vst v63  }
0x91: {  	_ =	swait.ge [sflag:s17], $0x4000  }
0x92: {  	[sflag:s17] =	ssyncset.done $0x0  }
0x93: {  	[sflag:s17] =	ssyncadd.s32 $0xFFFFC000  }
0x94: {  	_ =	sfence.sel $0x180000  }
0x95: {  	[bflag:$0x0] =	sbarrier.arrive $0xFFFF  }
0x96: {  	p0 =	sne.s32 s2, $0x0;
	_ =	strace $0x9000004A  }
0x97: {  	s0 =	sadd.s32 @!p0 $0x100000, s0;
	[bflag:$0x2] =	sbarrier.arrive $0xFFFF  }
0x98: {  	[sflag:s0] =	ssyncadd.tile.s32 @!p0 $0x1;
	_ =	shalt  }
.Lfunc_end2:
_tile_overlayer_lowered:
.L_overlay_start_2:
0x99: {  	(tag) =	ssettag $0x2  }
0x9a: {  	s0 =	rddreg [dreg:$0x0];
	s2 =	stileid.u32  }
0x9b: {  	s1 =	rddreg [dreg:$0x1];
	p0 =	sne.s32 s2, $0x0  }
0x9c: {  	s3 =	rddreg [dreg:$0x2];
	[bflag:$0x3] =	sbarrier.arrive $0xFFFF;
	s2 =	simm.s32 @!p0 $0x1C03  }
0x9d: {  	[timem:s3], [sflag:s2] =	dma.local @!p0 [hbm:s0], s1  }
0x9e: {  	s0 =	simm.s32 @!p0 $0x3  }
0x9f: {  	_ =	swait.ge @!p0 [sflag:s0], s1  }
0xa0: {  	s1 =	ssub.s32 @!p0 $0x0, s1;
	[sflag:s0] =	ssyncset.done @!p0 $0x0  }
0xa1: {  	[sflag:s0] =	ssyncadd.s32 @!p0 s1  }
0xa2: {  	[bflag:$0x3] =	sbarrier.arrive $0xFFFF  }
0xa3: {  	_ =	shalt  }

// kernel: kernel.7.cloned.1.call-start
scs
__scs_entry_jumppad:
0x0: {  	(pc) =	sbr.rel $0x88, $3  }
0x1: {  	(tag) =	ssettag $0x0;
	lr =	simm.s32 $0x1  }
0x2: {  	[smem:$0x3F9D] =	sst lr;
	_ =	strace $0xD0000000  }
0x3: {  	_ = 	snop  }
0x4: {  	_ = 	snop  }
0x5: {  	_ = 	snop  }
0x6: {  	_ = 	snop  }
0x7: {  	_ = 	snop  }
__scs_overlays_trampoline_lowered:
0x8: {  	[smem:$0x3FAC] =	sst s0  }
0x9: {  	[smem:$0x3FAD] =	sst s1  }
0xa: {  	[smem:$0x3FAE] =	sst s2  }
0xb: {  	[smem:$0x3FAF] =	sst s3  }
0xc: {  	[smem:$0x3FB0] =	sst s4  }
0xd: {  	[smem:$0x3FB1] =	sst s5  }
0xe: {  	[smem:$0x3FB2] =	sst s6  }
0xf: {  	[smem:$0x3FB3] =	sst s7  }
0x10: {  	[smem:$0x3FB4] =	sst s8  }
0x11: {  	[smem:$0x3FB5] =	sst s9;
	s0 =	simm.s32 @!p0 $0x0  }
0x12: {  	s1 =	sld [smem:$0x3F9B];
	s0 =	simm.s32 @p0 $0x1  }
0x13: {  	[smem:$0x3FB6] =	sst s0;
	s0 =	simm.s32 @!p1 $0x0  }
0x14: {  	s2 =	sld [smem:$0x3F9A];
	s0 =	simm.s32 @p1 $0x1  }
0x15: {  	[smem:$0x3FB7] =	sst s0;
	s0 =	simm.s32 @!p2 $0x0  }
0x16: {  	s3 =	sld [smem:$0x3FDB];
	s0 =	simm.s32 @p2 $0x1  }
0x17: {  	s4 =	simm.s32 $0x1BF5;
	[smem:$0x3FB9] =	sst s0  }
0x18: {  	s0 =	sld [smem:$0x3F9C];
	_ =	swait.ge [sflag:s4], $0x0  }
0x19: {  	s7 =	sld [smem:$0x3F9D]  }
0x1a: {  	s8 =	sadd.s32 $0xFFFFE003, lr  }
0x1b: {  	s9 =	sadd.s32 $0xFFFFFEF7, lr;
	s5 =	simm.s32 $0xFFFFFFFF;
	p2 =	slt.u32 s8, $0xFFFFF086  }
0x1c: {  	p1 =	slt.u32 s9, $0xF7A;
	s5 =	simm.s32 @!p2 $0x0  }
0x1d: {  	s5 =	simm.s32 @p1 $0x1;
	p0 =	seq.s32 s7, s2  }
0x1e: {  	s7 =	smul.u32 @!p0 $0xF7A, s2;
	p2 =	seq.s32 @!p0 s5, $0x0  }
0x1f: {  	s9 =	smul.u32 $0xF7A, s1;
	s8 =	simm.s32 @!p0 $0x1BF5;
	p2 =	por !p2, p0  }
0x20: {  	[sflag:s8] =	ssyncset.s32 @!p0 $0xFFFFF086;
	s6 =	sadd.s32 @!p0 s3, s7;
	s7 =	simm.s32 @!p0 $0x108  }
0x21: {  	s3 =	sadd.s32 s3, s9;
	s6 =	sadd.s32 @!p0 $0x88, s6;
	s7 =	simm.s32 @p2 $0x1082  }
0x22: {  	[simem:s7], [sflag:s8] =	dma.local @!p0 [hbm:s6], $0xF7A  }
0x23: {  	s9 =	sor.u32 $0xD0000000, s2;
	s6 =	simm.s32 $0x108;
	_ =	swait.ge @!p0 [sflag:s8], $0x0  }
0x24: {  	s3 =	sadd.s32 $0x88, s3;
	s6 =	simm.s32 @!p1 $0x1082;
	[sflag:s4] =	ssyncset.s32 $0xFFFFF086  }
0x25: {  	[simem:s6], [sflag:s4] =	dma.local [hbm:s3], $0xF7A  }
0x26: {  	[smem:$0x3F9D] =	sst s1;
	(tag) =	ssettag s2;
	_ =	strace s9  }
0x27: {  	s1 =	sld [smem:$0x3FAD]  }
0x28: {  	s2 =	sld [smem:$0x3FAE]  }
0x29: {  	s4 =	sld [smem:$0x3FB0]  }
0x2a: {  	p0 =	seq.s32 s5, $0x0;
	s5 =	sld [smem:$0x3FB1]  }
0x2b: {  	s6 =	sld [smem:$0x3FB2]  }
0x2c: {  	s7 =	sld [smem:$0x3FB3]  }
0x2d: {  	s3 =	simm.s32 $0x108;
	s8 =	sld [smem:$0x3FB4]  }
0x2e: {  	s3 =	simm.s32 @!p0 $0x1082;
	s9 =	sld [smem:$0x3FB5]  }
0x2f: {  	lr =	sadd.s32 s0, s3;
	s0 =	sld [smem:$0x3FAC]  }
0x30: {  	s3 =	sld [smem:$0x3FAF]  }
0x31: {  	[smem:$0x3FB8] =	sst s10  }
0x32: {  	s10 =	sld [smem:$0x3FB6];
	_ =	sdelay $0x3  }
0x33: {  	p0 =	seq.s32 s10, $0x1;
	s10 =	sld [smem:$0x3FB8];
	_ =	sdelay $0x3  }
0x34: {  	[smem:$0x3FB8] =	sst s10  }
0x35: {  	s10 =	sld [smem:$0x3FB7];
	_ =	sdelay $0x3  }
0x36: {  	p1 =	seq.s32 s10, $0x1;
	s10 =	sld [smem:$0x3FB8];
	_ =	sdelay $0x3  }
0x37: {  	[smem:$0x3FB8] =	sst s10  }
0x38: {  	s10 =	sld [smem:$0x3FB9]  }
0x39: {  	_ = 	snop;
	(pc) =	sbr.ind lr, $3  }
0x3a: {  	_ = 	snop  }
0x3b: {  	_ = 	snop  }
0x3c: {  	p2 =	seq.s32 s10, $0x1;
	s10 =	sld [smem:$0x3FB8]  }
0x3d: {  	_ =	shalt  }
0x3e: {  	_ =	shalt  }
0x3f: {  	_ =	shalt  }
0x40: {  	_ =	shalt  }
0x41: {  	_ =	shalt  }
0x42: {  	_ =	shalt  }
0x43: {  	_ =	shalt  }
0x44: {  	_ =	shalt  }
0x45: {  	_ =	shalt  }
0x46: {  	_ =	shalt  }
0x47: {  	_ =	shalt  }
0x48: {  	_ =	shalt  }
0x49: {  	_ =	shalt  }
0x4a: {  	_ =	shalt  }
0x4b: {  	_ =	shalt  }
0x4c: {  	_ =	shalt  }
0x4d: {  	_ =	shalt  }
0x4e: {  	_ =	shalt  }
0x4f: {  	_ =	shalt  }
0x50: {  	_ =	shalt  }
0x51: {  	_ =	shalt  }
0x52: {  	_ =	shalt  }
0x53: {  	_ =	shalt  }
0x54: {  	_ =	shalt  }
0x55: {  	_ =	shalt  }
0x56: {  	_ =	shalt  }
0x57: {  	_ =	shalt  }
0x58: {  	_ =	shalt  }
0x59: {  	_ =	shalt  }
0x5a: {  	_ =	shalt  }
0x5b: {  	_ =	shalt  }
0x5c: {  	_ =	shalt  }
0x5d: {  	_ =	shalt  }
0x5e: {  	_ =	shalt  }
0x5f: {  	_ =	shalt  }
0x60: {  	_ =	shalt  }
0x61: {  	_ =	shalt  }
0x62: {  	_ =	shalt  }
0x63: {  	_ =	shalt  }
0x64: {  	_ =	shalt  }
0x65: {  	_ =	shalt  }
0x66: {  	_ =	shalt  }
0x67: {  	_ =	shalt  }
0x68: {  	_ =	shalt  }
0x69: {  	_ =	shalt  }
0x6a: {  	_ =	shalt  }
0x6b: {  	_ =	shalt  }
0x6c: {  	_ =	shalt  }
0x6d: {  	_ =	shalt  }
0x6e: {  	_ =	shalt  }
0x6f: {  	_ =	shalt  }
0x70: {  	_ =	shalt  }
0x71: {  	_ =	shalt  }
0x72: {  	_ =	shalt  }
0x73: {  	_ =	shalt  }
0x74: {  	_ =	shalt  }
0x75: {  	_ =	shalt  }
0x76: {  	_ =	shalt  }
0x77: {  	_ =	shalt  }
0x78: {  	_ =	shalt  }
0x79: {  	_ =	shalt  }
0x7a: {  	_ =	shalt  }
0x7b: {  	_ =	shalt  }
0x7c: {  	_ =	shalt  }
0x7d: {  	_ =	shalt  }
0x7e: {  	_ =	shalt  }
0x7f: {  	_ =	shalt  }
0x80: {  	_ =	shalt  }
0x81: {  	_ =	shalt  }
0x82: {  	_ =	shalt  }
0x83: {  	_ =	shalt  }
0x84: {  	_ =	shalt  }
0x85: {  	_ =	shalt  }
0x86: {  	_ =	shalt  }
0x87: {  	_ =	shalt  }
.Lfunc_end0:
.L_simem_size_0:
called_computation_lowered:
.L_overlay_start_0:
0x88: {  	s2 =	sld [smem:$0x3FD9]  }
0x89: {  	s3 =	sld [smem:$0x3FFE];
	_ =	sdelay $0x1  }
0x8a: {  	s1 =	srdreg.scid  }
0x8b: {  	s0 =	sand.u32 $0x1, s1  }
0x8c: {  	s16 =	sshll.u32 s0, $0xA;
	s2 =	sadd.s32 s3, s2  }
0x8d: {  	s2 =	sadd.s32 s2, s16  }
0x8e: {  	[smem:$0x3FC4] =	sst s2  }
0x8f: {  	_ = 	snop  }
0x90: {  	(tm) =	ssettm $0x1  }
0x91: {  	s17 =	sld [smem:$0x3FFB];
	_ =	sdelay $0x3  }
0x92: {  	_ =	strace s17  }
0x93: {  	s2 =	sld [smem:$0x3FFC];
	_ =	sdelay $0x3  }
0x94: {  	_ =	strace s2  }
0x95: {  	s2 =	sld [smem:$0x3FFD];
	_ =	sdelay $0x3  }
0x96: {  	_ =	strace s2  }
0x97: {  	_ =	strace $0x8FFFFFFF  }
0x98: {  	s18 =	sld [smem:$0x3FDB];
	_ =	sdelay $0x1  }
0x99: {  	s19 =	simm.s32 $_scs_section_size  }
0x9a: {  	s4 =	simm.s32 $_size__tile_overlayer_lowered;
	s5 =	simm.s32 $_tile_overlayer_lowered  }
0x9b: {  	s22 =	simm.s32 $0x1BFF;
	s21 =	sshll.u32 s5, $0x1;
	s2 =	sadd.s32 s19, s18  }
0x9c: {  	s6 =	simm.s32 $0x0;
	s20 =	sshll.u32 s4, $0x1;
	s4 =	sadd.s32 s21, s2  }
0x9d: {  	[timem:s6], [sflag:s22] =	dma.local [hbm:s4], s20  }
0x9e: {  	_ =	swait.ge [sflag:s22], s20  }
0x9f: {  	s3 =	ssub.s32 $0x0, s20;
	[sflag:s22] =	ssyncset.done $0x0  }
0xa0: {  	[sflag:s22] =	ssyncadd.s32 s3;
	_ =	sdelay $0x1  }
0xa1: {  	s23 =	simm.s32 $0x1B8B  }
0xa2: {  	_ =	swait.ge [sflag:s23], $0x1  }
0xa3: {  	[sflag:s23] =	ssyncset.done $0x0  }
0xa4: {  	s25 =	simm.s32 $0x1B8E;
	s24 =	sld [smem:$0x3FFE];
	[sflag:s23] =	ssyncadd.s32 $0xFFFFFFFF  }
0xa5: {  	s26 =	simm.s32 $execute0_lowered;
	[smem:$0x3FD2] =	sst s25  }
0xa6: {  	s4 =	sshll.u32 s26, $0x1;
	_ =	strace $0x80000046;
	[dreg:$0x1] =	wrdreg $0xFFFFFFFF  }
0xa7: {  	s28 =	simm.s32 $_size_execute0_lowered;
	s2 =	sadd.s32 s2, s4;
	[dreg:$0x0] =	wrdreg $0x0  }
0xa8: {  	s4 =	sshll.u32 s28, $0x1;
	[dreg:$0x2] =	wrdreg s2  }
0xa9: {  	[dreg:$0x3] =	wrdreg s4  }
0xaa: {  	[dreg:$0x4] =	wrdreg $0xC0  }
0xab: {  	_ =	task [dreg:s6], $0x5FFFF  }
0xac: {  	[dreg:$0x1] =	wrdreg $0xFFFFFFFF  }
0xad: {  	[dreg:$0x0] =	wrdreg $0x60  }
0xae: {  	[dreg:$0x2] =	wrdreg s24  }
0xaf: {  	[dreg:$0x3] =	wrdreg $0x9  }
0xb0: {  	_ =	task.clear_ibuf [dreg:s6], $0x4FFFF;
	_ =	strace $0x90000046  }
0xb1: {  	s29 =	simm.s32 $0x9;
	_ =	strace $0x80000048  }
0xb2: {  	_ =	swait.ge [sflag:s29], $0x1  }
0xb3: {  	[sflag:s29] =	ssyncadd.s32 $0xFFFFFFFF  }
0xb4: {  	_ =	strace $0x90000048  }
0xb5: {  	_ =	sfence  }
0xb6: {  	s30 =	sld [smem:$0x0];
	_ =	sdelay $0x2  }
0xb7: {  	s31 =	sshll.u32 s1, $0xD;
	s1 =	sshrl.u32 s1, $0x2  }
0xb8: {  	s3 =	sand.u32 $0x4000, s31;
	s1 =	sadd.s32 s1, s30  }
0xb9: {  	s0 =	sor.u32 s3, s0;
	s1 =	sshll.u32 s1, $0x11  }
0xba: {  	s0 =	sor.u32 s1, s0  }
0xbb: {  	s0 =	sadd.s32 $0x8F2B, s0  }
0xbc: {  	[sflag:s0] =	ssyncadd.remote.s32 $0x1  }
0xbd: {  	_ =	sfence.sel $0xFFFF  }
0xbe: {  	[dreg:$0x0] =	wrdreg $0xFFFFFFFF;
	(pc) =	sbr.abs _section_cstart, $3  }
0xbf: {  	[dreg:$0x1] =	wrdreg $0xFFFFFFFF  }
0xc0: {  	_ =	task.clear_ibuf [dreg:s6], $0x2FFFF;
	_ =	strace $0x9FFFFFFF  }
0xc1: {  	(tm) =	ssettm $0x7FFFFFFF  }
tec
execute0_lowered:
.L_overlay_start_1:
0x0: {  	(tag) =	ssettag $0x1  }
0x1: {  	s1 =	srdreg.scid  }
0x2: {  	s0 =	stileid.u32;
	s17 =	sand.u32 $0x1, s1  }
0x3: {  	s11 =	rddreg [dreg:$0x0];
	s3 =	sshll.u32 s0, $0xA;
	s4 =	sshll.u32 s17, $0x9  }
0x4: {  	s2 =	simm.s32 $0x0;
	s1 =	rddreg [dreg:$0x1];
	s15 =	sor.u32 s4, s3  }
0x5: {  	[smem:$0x7FF] =	sst s2;
	s16 =	sadd.s32 $0x2A00, s11;
	s3 =	sshrl.u32 s15, $0x3  }
0x6: {  	_ =	strace $0x80000047;
	s4 =	sadd.s32 s16, s3;
	s3 =	simm.s32 $0x3  }
0x7: {  	[tilespmem:s2], [sflag:$0x3] =	stream.linear.gather [hbm4b:s4+s2], $0x80, $0x38;
	[tilespmem:$0x8100] =	vst v63  }
0x8: {  	s6 =	simm.s32 $0x80;
	_ =	swait.ge [sflag:s3], $0x80  }
0x9: {  	s7 =	simm.s32 $0x100;
	s13 =	sor.u32 $0x80, s15;
	[sflag:s3] =	ssyncset.done $0x0  }
0xa: {  	s5 =	sadd.s32 $0x3A00, s11;
	s8 =	sshrl.u32 s13, $0x3;
	[sflag:s3] =	ssyncadd.s32 $0xFFFFFF80  }
0xb: {  	[tilespmem:s7], [sflag:$0x1] =	stream.indirect.gather [hbm4b:s5+s6], $0x80, s2, s6, $0xb8;
	[tilespmem:$0x8100] =	vst v63  }
0xc: {  	s8 =	sadd.s32 s16, s8  }
0xd: {  	[tilespmem:s6], [sflag:$0x3] =	stream.linear.gather [hbm4b:s8+s2], $0x80, $0x38;
	[tilespmem:$0x8100] =	vst v63  }
0xe: {  	_ =	swait.ge [sflag:s3], $0x80  }
0xf: {  	[sflag:s3] =	ssyncset.done $0x0  }
0x10: {  	s9 =	simm.s32 $0x4100;
	s10 =	simm.s32 $0x1;
	[sflag:s3] =	ssyncadd.s32 $0xFFFFFF80  }
0x11: {  	[tilespmem:s9], [sflag:$0x2] =	stream.indirect.gather [hbm4b:s5+s6], $0x80, s6, s6, $0xb8;
	[tilespmem:$0x8100] =	vst v63  }
0x12: {  	_ =	swait.ge [sflag:s10], $0x4000  }
0x13: {  	s18 =	sadd.s32 $0x7C3A00, s11;
	s26 =	sshll.u32 s15, $0x4;
	[sflag:s10] =	ssyncset.done $0x0  }
0x14: {  	s11 =	sadd.s32 s18, s26;
	[sflag:s10] =	ssyncadd.s32 $0xFFFFC000  }
0x15: {  	[hbm4b:s11+s2] =	stream.linear.scatter [tilespmem:s7], [sflag:$0x3], $0x4000, $0x38;
	[tilespmem:$0x8100] =	vst v63  }
0x16: {  	_ =	swait.ge [sflag:s3], $0x4000  }
0x17: {  	[sflag:s3] =	ssyncset.done $0x0  }
0x18: {  	s12 =	simm.s32 $0x2;
	[sflag:s3] =	ssyncadd.s32 $0xFFFFC000  }
0x19: {  	_ =	swait.ge [sflag:s12], $0x4000  }
0x1a: {  	s13 =	sshll.u32 s13, $0x4;
	[sflag:s12] =	ssyncset.done $0x0  }
0x1b: {  	s13 =	sadd.s32 s18, s13;
	[sflag:s12] =	ssyncadd.s32 $0xFFFFC000  }
0x1c: {  	[hbm4b:s13+s2] =	stream.linear.scatter [tilespmem:s9], [sflag:$0x3], $0x4000, $0x38;
	[tilespmem:$0x8100] =	vst v63  }
0x1d: {  	s19 =	sor.u32 $0x100, s15;
	_ =	swait.ge [sflag:s3], $0x4000  }
0x1e: {  	s14 =	sshrl.u32 s19, $0x3;
	[sflag:s3] =	ssyncset.done $0x0  }
0x1f: {  	s14 =	sadd.s32 s16, s14;
	[sflag:s3] =	ssyncadd.s32 $0xFFFFC000  }
0x20: {  	[tilespmem:s2], [sflag:$0x3] =	stream.linear.gather [hbm4b:s14+s2], $0x80, $0x38;
	[tilespmem:$0x8100] =	vst v63  }
0x21: {  	_ =	swait.ge [sflag:s3], $0x80  }
0x22: {  	s20 =	sor.u32 $0x180, s15;
	[sflag:s3] =	ssyncset.done $0x0  }
0x23: {  	s15 =	sshrl.u32 s20, $0x3;
	[sflag:s3] =	ssyncadd.s32 $0xFFFFFF80  }
0x24: {  	[tilespmem:s7], [sflag:$0x1] =	stream.indirect.gather [hbm4b:s5+s6], $0x80, s2, s6, $0xb8;
	[tilespmem:$0x8100] =	vst v63  }
0x25: {  	s15 =	sadd.s32 s16, s15  }
0x26: {  	[tilespmem:s6], [sflag:$0x3] =	stream.linear.gather [hbm4b:s15+s2], $0x80, $0x38;
	[tilespmem:$0x8100] =	vst v63  }
0x27: {  	_ =	swait.ge [sflag:s3], $0x80  }
0x28: {  	[sflag:s3] =	ssyncset.done $0x0  }
0x29: {  	[sflag:s3] =	ssyncadd.s32 $0xFFFFFF80  }
0x2a: {  	[tilespmem:s9], [sflag:$0x2] =	stream.indirect.gather [hbm4b:s5+s6], $0x80, s6, s6, $0xb8;
	[tilespmem:$0x8100] =	vst v63  }
0x2b: {  	_ =	swait.ge [sflag:s10], $0x4000  }
0x2c: {  	s28 =	sshll.u32 s19, $0x4;
	[sflag:s10] =	ssyncset.done $0x0  }
0x2d: {  	s17 =	ssub.s32 $0x2, s17;
	s16 =	sadd.s32 s18, s28;
	[sflag:s10] =	ssyncadd.s32 $0xFFFFC000  }
0x2e: {  	[hbm4b:s16+s2] =	stream.linear.scatter [tilespmem:s7], [sflag:$0x3], $0x4000, $0x38;
	[tilespmem:$0x8100] =	vst v63  }
0x2f: {  	s29 =	sshrl.u32 s17, $0x1;
	_ =	swait.ge [sflag:s3], $0x4000  }
0x30: {  	s19 =	ssub.s32 s17, s29;
	[sflag:s3] =	ssyncset.done $0x0  }
0x31: {  	s31 =	smax.u32 s19, $0x1;
	[sflag:s3] =	ssyncadd.s32 $0xFFFFC000  }
0x32: {  	p0 =	sne.s32 s31, $0x1;
	_ =	swait.ge [sflag:s12], $0x4000  }
.Ltmp0:
0x33: {  	s30 =	sshll.u32 s20, $0x4;
	[sflag:s12] =	ssyncset.done $0x0;
	(pc) =	sbr.rel @!p0 .LBB2_2-.Ltmp0, $4  }
0x34: {  	s17 =	sadd.s32 s18, s30;
	[sflag:s12] =	ssyncadd.s32 $0xFFFFC000  }
0x35: {  	[hbm4b:s17+s2] =	stream.linear.scatter [tilespmem:s9], [sflag:$0x3], $0x4000, $0x38;
	[tilespmem:$0x8100] =	vst v63  }
0x36: {  	_ =	swait.ge [sflag:s3], $0x4000  }
0x37: {  	s18 =	sadd.s32 $0xFFFFFFFF, s31;
	[sflag:s3] =	ssyncset.done $0x0  }
.LBB2_1:
0x38: {  	p0 =	sne.s32 s18, $0x1;
	s18 =	sadd.s32 $0xFFFFFFFF, s18;
	[sflag:s3] =	ssyncadd.s32 $0xFFFFC000  }
0x39: {  	[tilespmem:s2], [sflag:$0x3] =	stream.linear.gather [hbm4b:s4+s2], $0x80, $0x38;
	[tilespmem:$0x8100] =	vst v63  }
0x3a: {  	_ =	swait.ge [sflag:s3], $0x80  }
0x3b: {  	[sflag:s3] =	ssyncset.done $0x0  }
0x3c: {  	[sflag:s3] =	ssyncadd.s32 $0xFFFFFF80  }
0x3d: {  	[tilespmem:s7], [sflag:$0x1] =	stream.indirect.gather [hbm4b:s5+s6], $0x80, s2, s6, $0xb8;
	[tilespmem:$0x8100] =	vst v63  }
0x3e: {  	_ = 	snop  }
0x3f: {  	[tilespmem:s6], [sflag:$0x3] =	stream.linear.gather [hbm4b:s8+s2], $0x80, $0x38;
	[tilespmem:$0x8100] =	vst v63  }
0x40: {  	_ =	swait.ge [sflag:s3], $0x80  }
0x41: {  	[sflag:s3] =	ssyncset.done $0x0  }
0x42: {  	[sflag:s3] =	ssyncadd.s32 $0xFFFFFF80  }
0x43: {  	[tilespmem:s9], [sflag:$0x2] =	stream.indirect.gather [hbm4b:s5+s6], $0x80, s6, s6, $0xb8;
	[tilespmem:$0x8100] =	vst v63  }
0x44: {  	_ =	swait.ge [sflag:s10], $0x4000  }
0x45: {  	[sflag:s10] =	ssyncset.done $0x0  }
0x46: {  	[sflag:s10] =	ssyncadd.s32 $0xFFFFC000  }
0x47: {  	[hbm4b:s11+s2] =	stream.linear.scatter [tilespmem:s7], [sflag:$0x3], $0x4000, $0x38;
	[tilespmem:$0x8100] =	vst v63  }
0x48: {  	_ =	swait.ge [sflag:s3], $0x4000  }
0x49: {  	[sflag:s3] =	ssyncset.done $0x0  }
0x4a: {  	[sflag:s3] =	ssyncadd.s32 $0xFFFFC000  }
0x4b: {  	_ =	swait.ge [sflag:s12], $0x4000  }
0x4c: {  	[sflag:s12] =	ssyncset.done $0x0  }
0x4d: {  	[sflag:s12] =	ssyncadd.s32 $0xFFFFC000  }
0x4e: {  	[hbm4b:s13+s2] =	stream.linear.scatter [tilespmem:s9], [sflag:$0x3], $0x4000, $0x38;
	[tilespmem:$0x8100] =	vst v63  }
0x4f: {  	_ =	swait.ge [sflag:s3], $0x4000  }
0x50: {  	[sflag:s3] =	ssyncset.done $0x0  }
0x51: {  	[sflag:s3] =	ssyncadd.s32 $0xFFFFC000  }
0x52: {  	[tilespmem:s2], [sflag:$0x3] =	stream.linear.gather [hbm4b:s14+s2], $0x80, $0x38;
	[tilespmem:$0x8100] =	vst v63  }
0x53: {  	_ =	swait.ge [sflag:s3], $0x80  }
0x54: {  	[sflag:s3] =	ssyncset.done $0x0  }
0x55: {  	[sflag:s3] =	ssyncadd.s32 $0xFFFFFF80  }
0x56: {  	[tilespmem:s7], [sflag:$0x1] =	stream.indirect.gather [hbm4b:s5+s6], $0x80, s2, s6, $0xb8;
	[tilespmem:$0x8100] =	vst v63  }
0x57: {  	_ = 	snop  }
0x58: {  	[tilespmem:s6], [sflag:$0x3] =	stream.linear.gather [hbm4b:s15+s2], $0x80, $0x38;
	[tilespmem:$0x8100] =	vst v63  }
0x59: {  	_ =	swait.ge [sflag:s3], $0x80  }
0x5a: {  	[sflag:s3] =	ssyncset.done $0x0  }
0x5b: {  	[sflag:s3] =	ssyncadd.s32 $0xFFFFFF80  }
0x5c: {  	[tilespmem:s9], [sflag:$0x2] =	stream.indirect.gather [hbm4b:s5+s6], $0x80, s6, s6, $0xb8;
	[tilespmem:$0x8100] =	vst v63  }
0x5d: {  	_ =	swait.ge [sflag:s10], $0x4000  }
0x5e: {  	[sflag:s10] =	ssyncset.done $0x0  }
0x5f: {  	[sflag:s10] =	ssyncadd.s32 $0xFFFFC000  }
0x60: {  	[hbm4b:s16+s2] =	stream.linear.scatter [tilespmem:s7], [sflag:$0x3], $0x4000, $0x38;
	[tilespmem:$0x8100] =	vst v63  }
0x61: {  	_ =	swait.ge [sflag:s3], $0x4000  }
0x62: {  	[sflag:s3] =	ssyncset.done $0x0  }
0x63: {  	[sflag:s3] =	ssyncadd.s32 $0xFFFFC000  }
0x64: {  	_ =	swait.ge [sflag:s12], $0x4000  }
.Ltmp1:
0x65: {  	[sflag:s12] =	ssyncset.done $0x0;
	(pc) =	sbr.rel @p0 .LBB2_1-.Ltmp1, $4  }
0x66: {  	[sflag:s12] =	ssyncadd.s32 $0xFFFFC000  }
0x67: {  	[hbm4b:s17+s2] =	stream.linear.scatter [tilespmem:s9], [sflag:$0x3], $0x4000, $0x38;
	[tilespmem:$0x8100] =	vst v63  }
0x68: {  	_ =	swait.ge [sflag:s3], $0x4000  }
0x69: {  	[sflag:s3] =	ssyncset.done $0x0  }
.LBB2_2:
0x6a: {  	[sflag:s3] =	ssyncadd.s32 $0xFFFFC000  }
0x6b: {  	_ =	sfence.sel $0x180000  }
0x6c: {  	[bflag:$0x0] =	sbarrier.arrive $0xFFFF  }
0x6d: {  	p0 =	sne.s32 s0, $0x0;
	_ =	strace $0x90000047  }
0x6e: {  	s0 =	sadd.s32 @!p0 $0x100000, s1;
	[bflag:$0x2] =	sbarrier.arrive $0xFFFF  }
0x6f: {  	[sflag:s0] =	ssyncadd.tile.s32 @!p0 $0x1;
	_ =	shalt  }
.Lfunc_end2:
_tile_overlayer_lowered:
.L_overlay_start_2:
0x70: {  	(tag) =	ssettag $0x2  }
0x71: {  	s0 =	rddreg [dreg:$0x0];
	s2 =	stileid.u32  }
0x72: {  	s1 =	rddreg [dreg:$0x1];
	p0 =	sne.s32 s2, $0x0  }
0x73: {  	s3 =	rddreg [dreg:$0x2];
	[bflag:$0x3] =	sbarrier.arrive $0xFFFF;
	s2 =	simm.s32 @!p0 $0x1C03  }
0x74: {  	[timem:s3], [sflag:s2] =	dma.local @!p0 [hbm:s0], s1  }
0x75: {  	s0 =	simm.s32 @!p0 $0x3  }
0x76: {  	_ =	swait.ge @!p0 [sflag:s0], s1  }
0x77: {  	s1 =	ssub.s32 @!p0 $0x0, s1;
	[sflag:s0] =	ssyncset.done @!p0 $0x0  }
0x78: {  	[sflag:s0] =	ssyncadd.s32 @!p0 s1  }
0x79: {  	[bflag:$0x3] =	sbarrier.arrive $0xFFFF  }
0x7a: {  	_ =	shalt  }

</sc_bundles>
